<compile_context>
chip_gen: v7x
topology: tpu7x:2x2x1
jax: 0.10.2.dev20260603
libtpu: 0.0.44.dev20260713+nightly
codegen_flags: <defaults>
</compile_context>

<pallas_src>
import functools

import jax
import jax.numpy as jnp
from jax import lax
from jax.experimental import pallas as pl
from jax.experimental.pallas import tpu as pltpu
from jax.experimental.pallas import tpu_sc as plsc

N = 10000
E = 320000
D = 128
NP = 10240
NC = 2
NS = 16
NW = NC * NS
EPW = E // NW
CH = 80
NCHUNK = EPW // CH
RPS = NP // NS
NBUF = 4
GAHEAD = 2
IAHEAD = 4
IRING = 8

_MESH = plsc.VectorSubcoreMesh(core_axis_name="c", subcore_axis_name="s")


@functools.partial(
    pl.kernel,
    out_type=jax.ShapeDtypeStruct((NC, NP), jnp.float32),
    mesh=_MESH,
    scratch_types=[
        pltpu.VMEM((NCHUNK, CH), jnp.int32),
        pltpu.VMEM((CH,), jnp.float32),
        pltpu.VMEM_SHARED((NP,), jnp.float32),
        pltpu.SemaphoreType.DMA,
    ],
)
def _deg_kernel(dst_hbm, zeros_hbm, out_hbm, dst_v, ones_v, acc_sh, sem):
    cid = lax.axis_index("c")
    sid = lax.axis_index("s")
    tile = sid * NC + cid
    pltpu.sync_copy(dst_hbm.at[tile], dst_v)
    for i in range(CH // 16):
        ones_v[pl.ds(i * 16, 16)] = jnp.ones((16,), jnp.float32)
    pltpu.sync_copy(zeros_hbm.at[pl.ds(sid * RPS, RPS)],
                    acc_sh.at[pl.ds(sid * RPS, RPS)])
    plsc.subcore_barrier()

    def body(j, carry):
        @pl.when(j < NCHUNK)
        def _():
            pltpu.async_copy(ones_v, acc_sh.at[dst_v.at[j]], sem, add=True)

        @pl.when(j >= 4)
        def _():
            pltpu.make_async_copy(ones_v, acc_sh.at[dst_v.at[j - 4]],
                                  sem).wait()

        return carry

    lax.fori_loop(0, NCHUNK + 4, body, 0)
    plsc.subcore_barrier()
    pltpu.sync_copy(acc_sh.at[pl.ds(sid * RPS, RPS)],
                    out_hbm.at[cid, pl.ds(sid * RPS, RPS)])


@functools.partial(
    pl.kernel,
    out_type=jax.ShapeDtypeStruct((NC, NP, D), jnp.float32),
    mesh=_MESH,
    scratch_types=[
        pltpu.VMEM((IRING, 2, CH), jnp.int32),
        pltpu.VMEM((NBUF * CH, D), jnp.float32),
        pltpu.VMEM_SHARED((NP, D), jnp.float32),
        pltpu.SemaphoreType.DMA,
        pltpu.SemaphoreType.DMA,
        pltpu.SemaphoreType.DMA,
    ],
)
def _scatter_kernel(y_hbm, ein_hbm, out_hbm,
                    idx_v, rows_v, acc_sh, isem, gsem, ssem):
    cid = lax.axis_index("c")
    sid = lax.axis_index("s")
    tile = sid * NC + cid
    pltpu.sync_copy(y_hbm.at[pl.ds(sid * RPS, RPS)],
                    acc_sh.at[pl.ds(sid * RPS, RPS)])
    plsc.subcore_barrier()

    def _start_idx(ji):
        jr = lax.rem(ji, IRING)
        pltpu.async_copy(ein_hbm.at[0, tile, ji], idx_v.at[jr, 0], isem)
        pltpu.async_copy(ein_hbm.at[1, tile, ji], idx_v.at[jr, 1], isem)

    def _wait_idx_start_gather(jg):
        js = lax.rem(jg, IRING)
        pltpu.make_async_copy(ein_hbm.at[0, tile, jg], idx_v.at[js, 0],
                              isem).wait()
        pltpu.make_async_copy(ein_hbm.at[1, tile, jg], idx_v.at[js, 1],
                              isem).wait()
        pltpu.async_copy(y_hbm.at[idx_v.at[js, 0]],
                         rows_v.at[pl.ds(lax.rem(jg, NBUF) * CH, CH)], gsem)

    def _wait_gather_start_scatter(j):
        js = lax.rem(j, IRING)
        jb = lax.rem(j, NBUF) * CH
        pltpu.make_async_copy(y_hbm.at[idx_v.at[js, 0]],
                              rows_v.at[pl.ds(jb, CH)], gsem).wait()
        pltpu.async_copy(rows_v.at[pl.ds(jb, CH)],
                         acc_sh.at[idx_v.at[js, 1]], ssem, add=True)

    def _wait_scatter(jj):
        js = lax.rem(jj, IRING)
        pltpu.make_async_copy(rows_v.at[pl.ds(lax.rem(jj, NBUF) * CH, CH)],
                              acc_sh.at[idx_v.at[js, 1]], ssem).wait()

    for k in range(IAHEAD):
        _start_idx(k)
    for g in range(GAHEAD):
        _wait_idx_start_gather(g)

    def body(j, carry):
        @pl.when(j < NCHUNK)
        def _():
            _wait_gather_start_scatter(j)

        @pl.when(j >= GAHEAD)
        def _():
            _wait_scatter(j - GAHEAD)

        @pl.when(j + GAHEAD < NCHUNK)
        def _():
            _wait_idx_start_gather(j + GAHEAD)

        @pl.when(j + IAHEAD < NCHUNK)
        def _():
            _start_idx(j + IAHEAD)

        return carry

    lax.fori_loop(0, NCHUNK + GAHEAD, body, 0)
    plsc.subcore_barrier()
    pltpu.sync_copy(acc_sh.at[pl.ds(sid * RPS, RPS)],
                    out_hbm.at[cid, pl.ds(sid * RPS, RPS)])


BM = 2048


def _mmscale_body(d_ref, x_ref, w_ref, y_ref, dis_ref):
    dis_r = lax.rsqrt(d_ref[...] + 1.0)
    dis_ref[...] = dis_r
    xw = jnp.dot(x_ref[...], w_ref[...], preferred_element_type=jnp.float32)
    y_ref[...] = xw * lax.transpose(dis_r, (1, 0))


def _mmscale(d, x, w):
    return pl.pallas_call(
        _mmscale_body,
        grid=(NP // BM,),
        in_specs=[
            pl.BlockSpec((1, BM), lambda i: (0, i)),
            pl.BlockSpec((BM, D), lambda i: (i, 0)),
            pl.BlockSpec((D, D), lambda i: (0, 0)),
        ],
        out_specs=[
            pl.BlockSpec((BM, D), lambda i: (i, 0)),
            pl.BlockSpec((1, BM), lambda i: (0, i)),
        ],
        out_shape=[
            jax.ShapeDtypeStruct((NP, D), jnp.float32),
            jax.ShapeDtypeStruct((1, NP), jnp.float32),
        ],
    )(d, x, w)


def _mid_body(p0_ref, p1_ref, y_ref, dis_ref, b_ref, w_ref, o_ref):
    dis = lax.transpose(dis_ref[...], (1, 0))
    h = dis * (p0_ref[0] + p1_ref[0] - y_ref[...]) + b_ref[...]
    h = jnp.maximum(h, 0.0)
    o_ref[...] = dis * jnp.dot(h, w_ref[...],
                               preferred_element_type=jnp.float32)


def _mid(p, y, dis, b, w):
    return pl.pallas_call(
        _mid_body,
        grid=(NP // BM,),
        in_specs=[
            pl.BlockSpec((1, BM, D), lambda i: (0, i, 0)),
            pl.BlockSpec((1, BM, D), lambda i: (1, i, 0)),
            pl.BlockSpec((BM, D), lambda i: (i, 0)),
            pl.BlockSpec((1, BM), lambda i: (0, i)),
            pl.BlockSpec((1, D), lambda i: (0, 0)),
            pl.BlockSpec((D, D), lambda i: (0, 0)),
        ],
        out_specs=pl.BlockSpec((BM, D), lambda i: (i, 0)),
        out_shape=jax.ShapeDtypeStruct((NP, D), jnp.float32),
    )(p, p, y, dis, b, w)


def _final_body(p0_ref, p1_ref, y_ref, dis_ref, b_ref, o_ref):
    dis = lax.transpose(dis_ref[...], (1, 0))
    o_ref[...] = dis * (p0_ref[0] + p1_ref[0] - y_ref[...]) + b_ref[...]


BF = 2048


def _final(p, y, dis, b):
    return pl.pallas_call(
        _final_body,
        grid=(NP // BF,),
        in_specs=[
            pl.BlockSpec((1, BF, D), lambda i: (0, i, 0)),
            pl.BlockSpec((1, BF, D), lambda i: (1, i, 0)),
            pl.BlockSpec((BF, D), lambda i: (i, 0)),
            pl.BlockSpec((1, BF), lambda i: (0, i)),
            pl.BlockSpec((1, D), lambda i: (0, 0)),
        ],
        out_specs=pl.BlockSpec((BF, D), lambda i: (i, 0)),
        out_shape=jax.ShapeDtypeStruct((N, D), jnp.float32),
    )(p, p, y, dis, b)


def kernel(x, edge_index, W1, b1, W2, b2):
    ein = edge_index.reshape(2, NW, NCHUNK, CH)
    dst = ein[1]
    zeros_deg = jnp.zeros((NP,), jnp.float32)

    degp = _deg_kernel(dst, zeros_deg)
    d = (degp[0] + degp[1]).reshape(1, NP)

    y1, dis = _mmscale(d, x, W1)

    p1 = _scatter_kernel(y1, ein)
    y2 = _mid(p1, y1, dis, b1.reshape(1, D), W2)

    p2 = _scatter_kernel(y2, ein)
    return _final(p2, y2, dis, b2.reshape(1, D))

# --- scband reference (transcript-rebuilt; emitter-appended) ---
"""Pipeline reference for scband-skill-path-encoder-33801392619943 (READ-ONLY COPY).

The authoritative reference and input builder live on the scoring server;
editing this copy changes nothing except your own understanding.
"""

import jax, jax.numpy as jnp
import numpy as np

N = 10000
E = 320000
D = 128


def gcn_layer(x, edge_index, W, b, num_nodes):
    # torch_geometric GCNConv (default): add self-loops, symmetric norm, linear, scatter-add, bias
    src = edge_index[0]
    dst = edge_index[1]
    loops = jnp.arange(num_nodes, dtype=src.dtype)
    src = jnp.concatenate([src, loops])
    dst = jnp.concatenate([dst, loops])
    deg = jnp.zeros((num_nodes,), dtype=x.dtype).at[dst].add(1.0)
    deg_inv_sqrt = jnp.where(deg > 0, 1.0 / jnp.sqrt(deg), 0.0)
    norm = deg_inv_sqrt[src] * deg_inv_sqrt[dst]
    xw = x @ W
    msg = xw[src] * norm[:, None]
    out = jax.ops.segment_sum(msg, dst, num_segments=num_nodes)
    return out + b


def setup_inputs(seed: int = 0) -> dict:
    key = jax.random.key(seed)
    k1, k2, k3, k4 = jax.random.split(key, 4)
    x = jax.random.normal(k1, (N, D), dtype=jnp.float32)
    edge_index = jax.random.randint(k2, (2, E), 0, N, dtype=jnp.int32)
    W1 = jax.random.normal(k3, (D, D), dtype=jnp.float32) * 0.05
    b1 = jnp.zeros((D,), dtype=jnp.float32)
    W2 = jax.random.normal(k4, (D, D), dtype=jnp.float32) * 0.05
    b2 = jnp.zeros((D,), dtype=jnp.float32)
    return {"x": x, "edge_index": edge_index, "W1": W1, "b1": b1, "W2": W2, "b2": b2}


def reference(x, edge_index, W1, b1, W2, b2):
    # SkillPathEncoder forward (gcn_type='gcn', num_layers=2), dropout inactive at inference
    h = gcn_layer(x, edge_index, W1, b1, N)
    h = jax.nn.relu(h)
    out = gcn_layer(h, edge_index, W2, b2, N)
    return out

if __name__ == "__main__":
    import jax
    _d = setup_inputs()
    print(jax.jit(kernel)(*tuple(_d.values())))

</pallas_src>

<mosaic_0001>
#map = affine_map<(d0, d1) -> (0, 0)>
#map1 = affine_map<(d0, d1) -> (0, 0, 0, 0)>
#map2 = affine_map<(d0, d1) -> (0, 0, 0)>
module attributes {stable_mosaic.version = 14 : i64} {
  func.func @_scatter_kernel(%arg0: i32, %arg1: i32, %arg2: memref<10240x128xf32, #tpu.memory_space<hbm>>, %arg3: memref<2x32x125x80xi32, #tpu.memory_space<hbm>>, %arg4: memref<2x10240x128xf32, #tpu.memory_space<hbm>>, %arg5: memref<8x2x80xi32, #tpu.memory_space<vmem>>, %arg6: memref<320x128xf32, #tpu.memory_space<vmem>>, %arg7: memref<10240x128xf32, #tpu.memory_space<vmem_shared>>, %arg8: memref<!tpu.dma_semaphore, #tpu.memory_space<semaphore_mem>>, %arg9: memref<!tpu.dma_semaphore, #tpu.memory_space<semaphore_mem>>, %arg10: memref<!tpu.dma_semaphore, #tpu.memory_space<semaphore_mem>>) attributes {dimension_semantics = [#tpu.dimension_semantics<core_parallel>, #tpu.dimension_semantics<subcore_parallel>], iteration_bounds = array<i64: 2, 16>, scalar_prefetch = 0 : i64, scratch_operands = 6 : i64, tpu.core_type = #tpu.core_type<sc_vector_subcore>, window_params = [{transform_indices = #map}, {transform_indices = #map1}, {transform_indices = #map2}]} {
    %mul3A = arith.constant 2 : i32
    %mul3A_0 = arith.muli %arg1, %mul3A : i32
    %add3A = arith.addi %mul3A_0, %arg0 : i32
    %mul3A_1 = arith.constant 640 : i32
    %mul3A_2 = arith.muli %arg1, %mul3A_1 : i32
    %mul3A_3 = arith.constant 640 : i32
    %mul3A_4 = arith.muli %arg1, %mul3A_3 : i32
    "tpu.region"() ({
      %run_scoped3A = tpu.sem_alloc : memref<!tpu.dma_semaphore, #tpu.memory_space<semaphore_mem>>
      %dma_start3A_238 = arith.constant 0 : i32
      %dma_start3A_239 = tpu.memref_slice %arg7[%mul3A_4, %dma_start3A_238] : memref<10240x128xf32, #tpu.memory_space<vmem_shared>> -> memref<640x128xf32, #tpu.memory_space<vmem_shared>>
      %dma_start3A_240 = arith.constant 0 : i32
      %dma_start3A_241 = tpu.memref_slice %arg2[%mul3A_2, %dma_start3A_240] : memref<10240x128xf32, #tpu.memory_space<hbm>> -> memref<640x128xf32, #tpu.memory_space<hbm>>
      tpu.enqueue_dma source(%dma_start3A_241 : memref<640x128xf32, #tpu.memory_space<hbm>>) target(%dma_start3A_239 : memref<640x128xf32, #tpu.memory_space<vmem_shared>>) target_semaphore(%run_scoped3A : memref<!tpu.dma_semaphore, #tpu.memory_space<semaphore_mem>>)
      %dma_wait3A_242 = arith.constant 0 : i32
      %dma_wait3A_243 = tpu.memref_slice %arg7[%mul3A_4, %dma_wait3A_242] : memref<10240x128xf32, #tpu.memory_space<vmem_shared>> -> memref<640x128xf32, #tpu.memory_space<vmem_shared>>
      %dma_wait3A_244 = arith.constant 0 : i32
      %dma_wait3A_245 = tpu.memref_slice %arg2[%mul3A_2, %dma_wait3A_244] : memref<10240x128xf32, #tpu.memory_space<hbm>> -> memref<640x128xf32, #tpu.memory_space<hbm>>
      tpu.wait_dma2 semaphore(%run_scoped3A : memref<!tpu.dma_semaphore, #tpu.memory_space<semaphore_mem>>) src(%dma_wait3A_245 : memref<640x128xf32, #tpu.memory_space<hbm>>) dst(%dma_wait3A_243 : memref<640x128xf32, #tpu.memory_space<vmem_shared>>)
      tpu.yield
    }) : () -> ()
    %barrier3A = arith.constant 0 : index
    tpu.barrier barrier_id(%barrier3A)
    %rem3A = arith.constant 0 : i32
    %rem3A_5 = arith.constant 8 : i32
    %rem3A_6 = arith.remsi %rem3A, %rem3A_5 : i32
    %dma_start3A = arith.constant 0 : i32
    %dma_start3A_7 = arith.constant 0 : i32
    %dma_start3A_8 = arith.constant 0 : i32
    %dma_start3A_9 = arith.constant 0 : i32
    %dma_start3A_10 = tpu.memref_slice %arg5[%rem3A_6, %dma_start3A_8, %dma_start3A_9] : memref<8x2x80xi32, #tpu.memory_space<vmem>> -> memref<1x1x80xi32, #tpu.memory_space<vmem>>
    %dma_start3A_11 = tpu.memref_squeeze %dma_start3A_10 : memref<1x1x80xi32, #tpu.memory_space<vmem>> -> memref<80xi32, #tpu.memory_space<vmem>>
    %dma_start3A_12 = arith.constant 0 : i32
    %dma_start3A_13 = tpu.memref_slice %arg3[%dma_start3A, %add3A, %dma_start3A_7, %dma_start3A_12] : memref<2x32x125x80xi32, #tpu.memory_space<hbm>> -> memref<1x1x1x80xi32, #tpu.memory_space<hbm>>
    %dma_start3A_14 = tpu.memref_squeeze %dma_start3A_13 : memref<1x1x1x80xi32, #tpu.memory_space<hbm>> -> memref<80xi32, #tpu.memory_space<hbm>>
    %dma_start3A_15 = arith.constant 0 : i32
    %dma_start3A_16 = tpu.memref_slice %arg5[%rem3A_6, %dma_start3A_8, %dma_start3A_15] : memref<8x2x80xi32, #tpu.memory_space<vmem>> -> memref<1x1x80xi32, #tpu.memory_space<vmem>>
    %dma_start3A_17 = tpu.memref_squeeze %dma_start3A_16 : memref<1x1x80xi32, #tpu.memory_space<vmem>> -> memref<80xi32, #tpu.memory_space<vmem>>
    %dma_start3A_18 = arith.constant 0 : i32
    %dma_start3A_19 = tpu.memref_slice %arg3[%dma_start3A, %add3A, %dma_start3A_7, %dma_start3A_18] : memref<2x32x125x80xi32, #tpu.memory_space<hbm>> -> memref<1x1x1x80xi32, #tpu.memory_space<hbm>>
    %dma_start3A_20 = tpu.memref_squeeze %dma_start3A_19 : memref<1x1x1x80xi32, #tpu.memory_space<hbm>> -> memref<80xi32, #tpu.memory_space<hbm>>
    tpu.enqueue_dma source(%dma_start3A_20 : memref<80xi32, #tpu.memory_space<hbm>>) target(%dma_start3A_17 : memref<80xi32, #tpu.memory_space<vmem>>) target_semaphore(%arg8 : memref<!tpu.dma_semaphore, #tpu.memory_space<semaphore_mem>>)
    %dma_start3A_21 = arith.constant 1 : i32
    %dma_start3A_22 = arith.constant 0 : i32
    %dma_start3A_23 = arith.constant 1 : i32
    %dma_start3A_24 = arith.constant 0 : i32
    %dma_start3A_25 = tpu.memref_slice %arg5[%rem3A_6, %dma_start3A_23, %dma_start3A_24] : memref<8x2x80xi32, #tpu.memory_space<vmem>> -> memref<1x1x80xi32, #tpu.memory_space<vmem>>
    %dma_start3A_26 = tpu.memref_squeeze %dma_start3A_25 : memref<1x1x80xi32, #tpu.memory_space<vmem>> -> memref<80xi32, #tpu.memory_space<vmem>>
    %dma_start3A_27 = arith.constant 0 : i32
    %dma_start3A_28 = tpu.memref_slice %arg3[%dma_start3A_21, %add3A, %dma_start3A_22, %dma_start3A_27] : memref<2x32x125x80xi32, #tpu.memory_space<hbm>> -> memref<1x1x1x80xi32, #tpu.memory_space<hbm>>
    %dma_start3A_29 = tpu.memref_squeeze %dma_start3A_28 : memref<1x1x1x80xi32, #tpu.memory_space<hbm>> -> memref<80xi32, #tpu.memory_space<hbm>>
    %dma_start3A_30 = arith.constant 0 : i32
    %dma_start3A_31 = tpu.memref_slice %arg5[%rem3A_6, %dma_start3A_23, %dma_start3A_30] : memref<8x2x80xi32, #tpu.memory_space<vmem>> -> memref<1x1x80xi32, #tpu.memory_space<vmem>>
    %dma_start3A_32 = tpu.memref_squeeze %dma_start3A_31 : memref<1x1x80xi32, #tpu.memory_space<vmem>> -> memref<80xi32, #tpu.memory_space<vmem>>
    %dma_start3A_33 = arith.constant 0 : i32
    %dma_start3A_34 = tpu.memref_slice %arg3[%dma_start3A_21, %add3A, %dma_start3A_22, %dma_start3A_33] : memref<2x32x125x80xi32, #tpu.memory_space<hbm>> -> memref<1x1x1x80xi32, #tpu.memory_space<hbm>>
    %dma_start3A_35 = tpu.memref_squeeze %dma_start3A_34 : memref<1x1x1x80xi32, #tpu.memory_space<hbm>> -> memref<80xi32, #tpu.memory_space<hbm>>
    tpu.enqueue_dma source(%dma_start3A_35 : memref<80xi32, #tpu.memory_space<hbm>>) target(%dma_start3A_32 : memref<80xi32, #tpu.memory_space<vmem>>) target_semaphore(%arg8 : memref<!tpu.dma_semaphore, #tpu.memory_space<semaphore_mem>>)
    %rem3A_36 = arith.constant 1 : i32
    %rem3A_37 = arith.constant 8 : i32
    %rem3A_38 = arith.remsi %rem3A_36, %rem3A_37 : i32
    %dma_start3A_39 = arith.constant 0 : i32
    %dma_start3A_40 = arith.constant 1 : i32
    %dma_start3A_41 = arith.constant 0 : i32
    %dma_start3A_42 = arith.constant 0 : i32
    %dma_start3A_43 = tpu.memref_slice %arg5[%rem3A_38, %dma_start3A_41, %dma_start3A_42] : memref<8x2x80xi32, #tpu.memory_space<vmem>> -> memref<1x1x80xi32, #tpu.memory_space<vmem>>
    %dma_start3A_44 = tpu.memref_squeeze %dma_start3A_43 : memref<1x1x80xi32, #tpu.memory_space<vmem>> -> memref<80xi32, #tpu.memory_space<vmem>>
    %dma_start3A_45 = arith.constant 0 : i32
    %dma_start3A_46 = tpu.memref_slice %arg3[%dma_start3A_39, %add3A, %dma_start3A_40, %dma_start3A_45] : memref<2x32x125x80xi32, #tpu.memory_space<hbm>> -> memref<1x1x1x80xi32, #tpu.memory_space<hbm>>
    %dma_start3A_47 = tpu.memref_squeeze %dma_start3A_46 : memref<1x1x1x80xi32, #tpu.memory_space<hbm>> -> memref<80xi32, #tpu.memory_space<hbm>>
    %dma_start3A_48 = arith.constant 0 : i32
    %dma_start3A_49 = tpu.memref_slice %arg5[%rem3A_38, %dma_start3A_41, %dma_start3A_48] : memref<8x2x80xi32, #tpu.memory_space<vmem>> -> memref<1x1x80xi32, #tpu.memory_space<vmem>>
    %dma_start3A_50 = tpu.memref_squeeze %dma_start3A_49 : memref<1x1x80xi32, #tpu.memory_space<vmem>> -> memref<80xi32, #tpu.memory_space<vmem>>
    %dma_start3A_51 = arith.constant 0 : i32
    %dma_start3A_52 = tpu.memref_slice %arg3[%dma_start3A_39, %add3A, %dma_start3A_40, %dma_start3A_51] : memref<2x32x125x80xi32, #tpu.memory_space<hbm>> -> memref<1x1x1x80xi32, #tpu.memory_space<hbm>>
    %dma_start3A_53 = tpu.memref_squeeze %dma_start3A_52 : memref<1x1x1x80xi32, #tpu.memory_space<hbm>> -> memref<80xi32, #tpu.memory_space<hbm>>
    tpu.enqueue_dma source(%dma_start3A_53 : memref<80xi32, #tpu.memory_space<hbm>>) target(%dma_start3A_50 : memref<80xi32, #tpu.memory_space<vmem>>) target_semaphore(%arg8 : memref<!tpu.dma_semaphore, #tpu.memory_space<semaphore_mem>>)
    %dma_start3A_54 = arith.constant 1 : i32
    %dma_start3A_55 = arith.constant 1 : i32
    %dma_start3A_56 = arith.constant 1 : i32
    %dma_start3A_57 = arith.constant 0 : i32
    %dma_start3A_58 = tpu.memref_slice %arg5[%rem3A_38, %dma_start3A_56, %dma_start3A_57] : memref<8x2x80xi32, #tpu.memory_space<vmem>> -> memref<1x1x80xi32, #tpu.memory_space<vmem>>
    %dma_start3A_59 = tpu.memref_squeeze %dma_start3A_58 : memref<1x1x80xi32, #tpu.memory_space<vmem>> -> memref<80xi32, #tpu.memory_space<vmem>>
    %dma_start3A_60 = arith.constant 0 : i32
    %dma_start3A_61 = tpu.memref_slice %arg3[%dma_start3A_54, %add3A, %dma_start3A_55, %dma_start3A_60] : memref<2x32x125x80xi32, #tpu.memory_space<hbm>> -> memref<1x1x1x80xi32, #tpu.memory_space<hbm>>
    %dma_start3A_62 = tpu.memref_squeeze %dma_start3A_61 : memref<1x1x1x80xi32, #tpu.memory_space<hbm>> -> memref<80xi32, #tpu.memory_space<hbm>>
    %dma_start3A_63 = arith.constant 0 : i32
    %dma_start3A_64 = tpu.memref_slice %arg5[%rem3A_38, %dma_start3A_56, %dma_start3A_63] : memref<8x2x80xi32, #tpu.memory_space<vmem>> -> memref<1x1x80xi32, #tpu.memory_space<vmem>>
    %dma_start3A_65 = tpu.memref_squeeze %dma_start3A_64 : memref<1x1x80xi32, #tpu.memory_space<vmem>> -> memref<80xi32, #tpu.memory_space<vmem>>
    %dma_start3A_66 = arith.constant 0 : i32
    %dma_start3A_67 = tpu.memref_slice %arg3[%dma_start3A_54, %add3A, %dma_start3A_55, %dma_start3A_66] : memref<2x32x125x80xi32, #tpu.memory_space<hbm>> -> memref<1x1x1x80xi32, #tpu.memory_space<hbm>>
    %dma_start3A_68 = tpu.memref_squeeze %dma_start3A_67 : memref<1x1x1x80xi32, #tpu.memory_space<hbm>> -> memref<80xi32, #tpu.memory_space<hbm>>
    tpu.enqueue_dma source(%dma_start3A_68 : memref<80xi32, #tpu.memory_space<hbm>>) target(%dma_start3A_65 : memref<80xi32, #tpu.memory_space<vmem>>) target_semaphore(%arg8 : memref<!tpu.dma_semaphore, #tpu.memory_space<semaphore_mem>>)
    %rem3A_69 = arith.constant 2 : i32
    %rem3A_70 = arith.constant 8 : i32
    %rem3A_71 = arith.remsi %rem3A_69, %rem3A_70 : i32
    %dma_start3A_72 = arith.constant 0 : i32
    %dma_start3A_73 = arith.constant 2 : i32
    %dma_start3A_74 = arith.constant 0 : i32
    %dma_start3A_75 = arith.constant 0 : i32
    %dma_start3A_76 = tpu.memref_slice %arg5[%rem3A_71, %dma_start3A_74, %dma_start3A_75] : memref<8x2x80xi32, #tpu.memory_space<vmem>> -> memref<1x1x80xi32, #tpu.memory_space<vmem>>
    %dma_start3A_77 = tpu.memref_squeeze %dma_start3A_76 : memref<1x1x80xi32, #tpu.memory_space<vmem>> -> memref<80xi32, #tpu.memory_space<vmem>>
    %dma_start3A_78 = arith.constant 0 : i32
    %dma_start3A_79 = tpu.memref_slice %arg3[%dma_start3A_72, %add3A, %dma_start3A_73, %dma_start3A_78] : memref<2x32x125x80xi32, #tpu.memory_space<hbm>> -> memref<1x1x1x80xi32, #tpu.memory_space<hbm>>
    %dma_start3A_80 = tpu.memref_squeeze %dma_start3A_79 : memref<1x1x1x80xi32, #tpu.memory_space<hbm>> -> memref<80xi32, #tpu.memory_space<hbm>>
    %dma_start3A_81 = arith.constant 0 : i32
    %dma_start3A_82 = tpu.memref_slice %arg5[%rem3A_71, %dma_start3A_74, %dma_start3A_81] : memref<8x2x80xi32, #tpu.memory_space<vmem>> -> memref<1x1x80xi32, #tpu.memory_space<vmem>>
    %dma_start3A_83 = tpu.memref_squeeze %dma_start3A_82 : memref<1x1x80xi32, #tpu.memory_space<vmem>> -> memref<80xi32, #tpu.memory_space<vmem>>
    %dma_start3A_84 = arith.constant 0 : i32
    %dma_start3A_85 = tpu.memref_slice %arg3[%dma_start3A_72, %add3A, %dma_start3A_73, %dma_start3A_84] : memref<2x32x125x80xi32, #tpu.memory_space<hbm>> -> memref<1x1x1x80xi32, #tpu.memory_space<hbm>>
    %dma_start3A_86 = tpu.memref_squeeze %dma_start3A_85 : memref<1x1x1x80xi32, #tpu.memory_space<hbm>> -> memref<80xi32, #tpu.memory_space<hbm>>
    tpu.enqueue_dma source(%dma_start3A_86 : memref<80xi32, #tpu.memory_space<hbm>>) target(%dma_start3A_83 : memref<80xi32, #tpu.memory_space<vmem>>) target_semaphore(%arg8 : memref<!tpu.dma_semaphore, #tpu.memory_space<semaphore_mem>>)
    %dma_start3A_87 = arith.constant 1 : i32
    %dma_start3A_88 = arith.constant 2 : i32
    %dma_start3A_89 = arith.constant 1 : i32
    %dma_start3A_90 = arith.constant 0 : i32
    %dma_start3A_91 = tpu.memref_slice %arg5[%rem3A_71, %dma_start3A_89, %dma_start3A_90] : memref<8x2x80xi32, #tpu.memory_space<vmem>> -> memref<1x1x80xi32, #tpu.memory_space<vmem>>
    %dma_start3A_92 = tpu.memref_squeeze %dma_start3A_91 : memref<1x1x80xi32, #tpu.memory_space<vmem>> -> memref<80xi32, #tpu.memory_space<vmem>>
    %dma_start3A_93 = arith.constant 0 : i32
    %dma_start3A_94 = tpu.memref_slice %arg3[%dma_start3A_87, %add3A, %dma_start3A_88, %dma_start3A_93] : memref<2x32x125x80xi32, #tpu.memory_space<hbm>> -> memref<1x1x1x80xi32, #tpu.memory_space<hbm>>
    %dma_start3A_95 = tpu.memref_squeeze %dma_start3A_94 : memref<1x1x1x80xi32, #tpu.memory_space<hbm>> -> memref<80xi32, #tpu.memory_space<hbm>>
    %dma_start3A_96 = arith.constant 0 : i32
    %dma_start3A_97 = tpu.memref_slice %arg5[%rem3A_71, %dma_start3A_89, %dma_start3A_96] : memref<8x2x80xi32, #tpu.memory_space<vmem>> -> memref<1x1x80xi32, #tpu.memory_space<vmem>>
    %dma_start3A_98 = tpu.memref_squeeze %dma_start3A_97 : memref<1x1x80xi32, #tpu.memory_space<vmem>> -> memref<80xi32, #tpu.memory_space<vmem>>
    %dma_start3A_99 = arith.constant 0 : i32
    %dma_start3A_100 = tpu.memref_slice %arg3[%dma_start3A_87, %add3A, %dma_start3A_88, %dma_start3A_99] : memref<2x32x125x80xi32, #tpu.memory_space<hbm>> -> memref<1x1x1x80xi32, #tpu.memory_space<hbm>>
    %dma_start3A_101 = tpu.memref_squeeze %dma_start3A_100 : memref<1x1x1x80xi32, #tpu.memory_space<hbm>> -> memref<80xi32, #tpu.memory_space<hbm>>
    tpu.enqueue_dma source(%dma_start3A_101 : memref<80xi32, #tpu.memory_space<hbm>>) target(%dma_start3A_98 : memref<80xi32, #tpu.memory_space<vmem>>) target_semaphore(%arg8 : memref<!tpu.dma_semaphore, #tpu.memory_space<semaphore_mem>>)
    %rem3A_102 = arith.constant 3 : i32
    %rem3A_103 = arith.constant 8 : i32
    %rem3A_104 = arith.remsi %rem3A_102, %rem3A_103 : i32
    %dma_start3A_105 = arith.constant 0 : i32
    %dma_start3A_106 = arith.constant 3 : i32
    %dma_start3A_107 = arith.constant 0 : i32
    %dma_start3A_108 = arith.constant 0 : i32
    %dma_start3A_109 = tpu.memref_slice %arg5[%rem3A_104, %dma_start3A_107, %dma_start3A_108] : memref<8x2x80xi32, #tpu.memory_space<vmem>> -> memref<1x1x80xi32, #tpu.memory_space<vmem>>
    %dma_start3A_110 = tpu.memref_squeeze %dma_start3A_109 : memref<1x1x80xi32, #tpu.memory_space<vmem>> -> memref<80xi32, #tpu.memory_space<vmem>>
    %dma_start3A_111 = arith.constant 0 : i32
    %dma_start3A_112 = tpu.memref_slice %arg3[%dma_start3A_105, %add3A, %dma_start3A_106, %dma_start3A_111] : memref<2x32x125x80xi32, #tpu.memory_space<hbm>> -> memref<1x1x1x80xi32, #tpu.memory_space<hbm>>
    %dma_start3A_113 = tpu.memref_squeeze %dma_start3A_112 : memref<1x1x1x80xi32, #tpu.memory_space<hbm>> -> memref<80xi32, #tpu.memory_space<hbm>>
    %dma_start3A_114 = arith.constant 0 : i32
    %dma_start3A_115 = tpu.memref_slice %arg5[%rem3A_104, %dma_start3A_107, %dma_start3A_114] : memref<8x2x80xi32, #tpu.memory_space<vmem>> -> memref<1x1x80xi32, #tpu.memory_space<vmem>>
    %dma_start3A_116 = tpu.memref_squeeze %dma_start3A_115 : memref<1x1x80xi32, #tpu.memory_space<vmem>> -> memref<80xi32, #tpu.memory_space<vmem>>
    %dma_start3A_117 = arith.constant 0 : i32
    %dma_start3A_118 = tpu.memref_slice %arg3[%dma_start3A_105, %add3A, %dma_start3A_106, %dma_start3A_117] : memref<2x32x125x80xi32, #tpu.memory_space<hbm>> -> memref<1x1x1x80xi32, #tpu.memory_space<hbm>>
    %dma_start3A_119 = tpu.memref_squeeze %dma_start3A_118 : memref<1x1x1x80xi32, #tpu.memory_space<hbm>> -> memref<80xi32, #tpu.memory_space<hbm>>
    tpu.enqueue_dma source(%dma_start3A_119 : memref<80xi32, #tpu.memory_space<hbm>>) target(%dma_start3A_116 : memref<80xi32, #tpu.memory_space<vmem>>) target_semaphore(%arg8 : memref<!tpu.dma_semaphore, #tpu.memory_space<semaphore_mem>>)
    %dma_start3A_120 = arith.constant 1 : i32
    %dma_start3A_121 = arith.constant 3 : i32
    %dma_start3A_122 = arith.constant 1 : i32
    %dma_start3A_123 = arith.constant 0 : i32
    %dma_start3A_124 = tpu.memref_slice %arg5[%rem3A_104, %dma_start3A_122, %dma_start3A_123] : memref<8x2x80xi32, #tpu.memory_space<vmem>> -> memref<1x1x80xi32, #tpu.memory_space<vmem>>
    %dma_start3A_125 = tpu.memref_squeeze %dma_start3A_124 : memref<1x1x80xi32, #tpu.memory_space<vmem>> -> memref<80xi32, #tpu.memory_space<vmem>>
    %dma_start3A_126 = arith.constant 0 : i32
    %dma_start3A_127 = tpu.memref_slice %arg3[%dma_start3A_120, %add3A, %dma_start3A_121, %dma_start3A_126] : memref<2x32x125x80xi32, #tpu.memory_space<hbm>> -> memref<1x1x1x80xi32, #tpu.memory_space<hbm>>
    %dma_start3A_128 = tpu.memref_squeeze %dma_start3A_127 : memref<1x1x1x80xi32, #tpu.memory_space<hbm>> -> memref<80xi32, #tpu.memory_space<hbm>>
    %dma_start3A_129 = arith.constant 0 : i32
    %dma_start3A_130 = tpu.memref_slice %arg5[%rem3A_104, %dma_start3A_122, %dma_start3A_129] : memref<8x2x80xi32, #tpu.memory_space<vmem>> -> memref<1x1x80xi32, #tpu.memory_space<vmem>>
    %dma_start3A_131 = tpu.memref_squeeze %dma_start3A_130 : memref<1x1x80xi32, #tpu.memory_space<vmem>> -> memref<80xi32, #tpu.memory_space<vmem>>
    %dma_start3A_132 = arith.constant 0 : i32
    %dma_start3A_133 = tpu.memref_slice %arg3[%dma_start3A_120, %add3A, %dma_start3A_121, %dma_start3A_132] : memref<2x32x125x80xi32, #tpu.memory_space<hbm>> -> memref<1x1x1x80xi32, #tpu.memory_space<hbm>>
    %dma_start3A_134 = tpu.memref_squeeze %dma_start3A_133 : memref<1x1x1x80xi32, #tpu.memory_space<hbm>> -> memref<80xi32, #tpu.memory_space<hbm>>
    tpu.enqueue_dma source(%dma_start3A_134 : memref<80xi32, #tpu.memory_space<hbm>>) target(%dma_start3A_131 : memref<80xi32, #tpu.memory_space<vmem>>) target_semaphore(%arg8 : memref<!tpu.dma_semaphore, #tpu.memory_space<semaphore_mem>>)
    %rem3A_135 = arith.constant 0 : i32
    %rem3A_136 = arith.constant 8 : i32
    %rem3A_137 = arith.remsi %rem3A_135, %rem3A_136 : i32
    %dma_wait3A = arith.constant 0 : i32
    %dma_wait3A_138 = arith.constant 0 : i32
    %dma_wait3A_139 = arith.constant 0 : i32
    %dma_wait3A_140 = arith.constant 0 : i32
    %dma_wait3A_141 = tpu.memref_slice %arg5[%rem3A_137, %dma_wait3A_139, %dma_wait3A_140] : memref<8x2x80xi32, #tpu.memory_space<vmem>> -> memref<1x1x80xi32, #tpu.memory_space<vmem>>
    %dma_wait3A_142 = tpu.memref_squeeze %dma_wait3A_141 : memref<1x1x80xi32, #tpu.memory_space<vmem>> -> memref<80xi32, #tpu.memory_space<vmem>>
    %dma_wait3A_143 = arith.constant 0 : i32
    %dma_wait3A_144 = tpu.memref_slice %arg3[%dma_wait3A, %add3A, %dma_wait3A_138, %dma_wait3A_143] : memref<2x32x125x80xi32, #tpu.memory_space<hbm>> -> memref<1x1x1x80xi32, #tpu.memory_space<hbm>>
    %dma_wait3A_145 = tpu.memref_squeeze %dma_wait3A_144 : memref<1x1x1x80xi32, #tpu.memory_space<hbm>> -> memref<80xi32, #tpu.memory_space<hbm>>
    %dma_wait3A_146 = arith.constant 0 : i32
    %dma_wait3A_147 = tpu.memref_slice %arg5[%rem3A_137, %dma_wait3A_139, %dma_wait3A_146] : memref<8x2x80xi32, #tpu.memory_space<vmem>> -> memref<1x1x80xi32, #tpu.memory_space<vmem>>
    %dma_wait3A_148 = tpu.memref_squeeze %dma_wait3A_147 : memref<1x1x80xi32, #tpu.memory_space<vmem>> -> memref<80xi32, #tpu.memory_space<vmem>>
    %dma_wait3A_149 = arith.constant 0 : i32
    %dma_wait3A_150 = tpu.memref_slice %arg3[%dma_wait3A, %add3A, %dma_wait3A_138, %dma_wait3A_149] : memref<2x32x125x80xi32, #tpu.memory_space<hbm>> -> memref<1x1x1x80xi32, #tpu.memory_space<hbm>>
    %dma_wait3A_151 = tpu.memref_squeeze %dma_wait3A_150 : memref<1x1x1x80xi32, #tpu.memory_space<hbm>> -> memref<80xi32, #tpu.memory_space<hbm>>
    tpu.wait_dma2 semaphore(%arg8 : memref<!tpu.dma_semaphore, #tpu.memory_space<semaphore_mem>>) src(%dma_wait3A_151 : memref<80xi32, #tpu.memory_space<hbm>>) dst(%dma_wait3A_148 : memref<80xi32, #tpu.memory_space<vmem>>)
    %dma_wait3A_152 = arith.constant 1 : i32
    %dma_wait3A_153 = arith.constant 0 : i32
    %dma_wait3A_154 = arith.constant 1 : i32
    %dma_wait3A_155 = arith.constant 0 : i32
    %dma_wait3A_156 = tpu.memref_slice %arg5[%rem3A_137, %dma_wait3A_154, %dma_wait3A_155] : memref<8x2x80xi32, #tpu.memory_space<vmem>> -> memref<1x1x80xi32, #tpu.memory_space<vmem>>
    %dma_wait3A_157 = tpu.memref_squeeze %dma_wait3A_156 : memref<1x1x80xi32, #tpu.memory_space<vmem>> -> memref<80xi32, #tpu.memory_space<vmem>>
    %dma_wait3A_158 = arith.constant 0 : i32
    %dma_wait3A_159 = tpu.memref_slice %arg3[%dma_wait3A_152, %add3A, %dma_wait3A_153, %dma_wait3A_158] : memref<2x32x125x80xi32, #tpu.memory_space<hbm>> -> memref<1x1x1x80xi32, #tpu.memory_space<hbm>>
    %dma_wait3A_160 = tpu.memref_squeeze %dma_wait3A_159 : memref<1x1x1x80xi32, #tpu.memory_space<hbm>> -> memref<80xi32, #tpu.memory_space<hbm>>
    %dma_wait3A_161 = arith.constant 0 : i32
    %dma_wait3A_162 = tpu.memref_slice %arg5[%rem3A_137, %dma_wait3A_154, %dma_wait3A_161] : memref<8x2x80xi32, #tpu.memory_space<vmem>> -> memref<1x1x80xi32, #tpu.memory_space<vmem>>
    %dma_wait3A_163 = tpu.memref_squeeze %dma_wait3A_162 : memref<1x1x80xi32, #tpu.memory_space<vmem>> -> memref<80xi32, #tpu.memory_space<vmem>>
    %dma_wait3A_164 = arith.constant 0 : i32
    %dma_wait3A_165 = tpu.memref_slice %arg3[%dma_wait3A_152, %add3A, %dma_wait3A_153, %dma_wait3A_164] : memref<2x32x125x80xi32, #tpu.memory_space<hbm>> -> memref<1x1x1x80xi32, #tpu.memory_space<hbm>>
    %dma_wait3A_166 = tpu.memref_squeeze %dma_wait3A_165 : memref<1x1x1x80xi32, #tpu.memory_space<hbm>> -> memref<80xi32, #tpu.memory_space<hbm>>
    tpu.wait_dma2 semaphore(%arg8 : memref<!tpu.dma_semaphore, #tpu.memory_space<semaphore_mem>>) src(%dma_wait3A_166 : memref<80xi32, #tpu.memory_space<hbm>>) dst(%dma_wait3A_163 : memref<80xi32, #tpu.memory_space<vmem>>)
    %rem3A_167 = arith.constant 0 : i32
    %rem3A_168 = arith.constant 4 : i32
    %rem3A_169 = arith.remsi %rem3A_167, %rem3A_168 : i32
    %mul3A_170 = arith.constant 80 : i32
    %mul3A_171 = arith.muli %rem3A_169, %mul3A_170 : i32
    %dma_start3A_172 = arith.constant 0 : i32
    %dma_start3A_173 = arith.constant 0 : i32
    %dma_start3A_174 = tpu.memref_slice %arg6[%mul3A_171, %dma_start3A_173] : memref<320x128xf32, #tpu.memory_space<vmem>> -> memref<80x128xf32, #tpu.memory_space<vmem>>
    %dma_start3A_175 = arith.constant 0 : i32
    %dma_start3A_176 = tpu.memref_slice %arg5[%rem3A_137, %dma_start3A_172, %dma_start3A_175] : memref<8x2x80xi32, #tpu.memory_space<vmem>> -> memref<1x1x80xi32, #tpu.memory_space<vmem>>
    %dma_start3A_177 = tpu.memref_squeeze %dma_start3A_176 : memref<1x1x80xi32, #tpu.memory_space<vmem>> -> memref<80xi32, #tpu.memory_space<vmem>>
    %dma_start3A_178 = arith.constant 0 : i32
    %dma_start3A_179 = arith.constant 0 : i32
    %dma_start3A_180 = tpu.memref_slice %arg2[%dma_start3A_178, %dma_start3A_179] : memref<10240x128xf32, #tpu.memory_space<hbm>> -> memref<10240x128xf32, #tpu.memory_space<hbm>>
    tpu.enqueue_indirect_dma source(%dma_start3A_180 : memref<10240x128xf32, #tpu.memory_space<hbm>>) target(%dma_start3A_174 : memref<80x128xf32, #tpu.memory_space<vmem>>) offsets(%dma_start3A_177 : memref<80xi32, #tpu.memory_space<vmem>>) semaphore(%arg9 : memref<!tpu.dma_semaphore, #tpu.memory_space<semaphore_mem>>)
    %rem3A_181 = arith.constant 1 : i32
    %rem3A_182 = arith.constant 8 : i32
    %rem3A_183 = arith.remsi %rem3A_181, %rem3A_182 : i32
    %dma_wait3A_184 = arith.constant 0 : i32
    %dma_wait3A_185 = arith.constant 1 : i32
    %dma_wait3A_186 = arith.constant 0 : i32
    %dma_wait3A_187 = arith.constant 0 : i32
    %dma_wait3A_188 = tpu.memref_slice %arg5[%rem3A_183, %dma_wait3A_186, %dma_wait3A_187] : memref<8x2x80xi32, #tpu.memory_space<vmem>> -> memref<1x1x80xi32, #tpu.memory_space<vmem>>
    %dma_wait3A_189 = tpu.memref_squeeze %dma_wait3A_188 : memref<1x1x80xi32, #tpu.memory_space<vmem>> -> memref<80xi32, #tpu.memory_space<vmem>>
    %dma_wait3A_190 = arith.constant 0 : i32
    %dma_wait3A_191 = tpu.memref_slice %arg3[%dma_wait3A_184, %add3A, %dma_wait3A_185, %dma_wait3A_190] : memref<2x32x125x80xi32, #tpu.memory_space<hbm>> -> memref<1x1x1x80xi32, #tpu.memory_space<hbm>>
    %dma_wait3A_192 = tpu.memref_squeeze %dma_wait3A_191 : memref<1x1x1x80xi32, #tpu.memory_space<hbm>> -> memref<80xi32, #tpu.memory_space<hbm>>
    %dma_wait3A_193 = arith.constant 0 : i32
    %dma_wait3A_194 = tpu.memref_slice %arg5[%rem3A_183, %dma_wait3A_186, %dma_wait3A_193] : memref<8x2x80xi32, #tpu.memory_space<vmem>> -> memref<1x1x80xi32, #tpu.memory_space<vmem>>
    %dma_wait3A_195 = tpu.memref_squeeze %dma_wait3A_194 : memref<1x1x80xi32, #tpu.memory_space<vmem>> -> memref<80xi32, #tpu.memory_space<vmem>>
    %dma_wait3A_196 = arith.constant 0 : i32
    %dma_wait3A_197 = tpu.memref_slice %arg3[%dma_wait3A_184, %add3A, %dma_wait3A_185, %dma_wait3A_196] : memref<2x32x125x80xi32, #tpu.memory_space<hbm>> -> memref<1x1x1x80xi32, #tpu.memory_space<hbm>>
    %dma_wait3A_198 = tpu.memref_squeeze %dma_wait3A_197 : memref<1x1x1x80xi32, #tpu.memory_space<hbm>> -> memref<80xi32, #tpu.memory_space<hbm>>
    tpu.wait_dma2 semaphore(%arg8 : memref<!tpu.dma_semaphore, #tpu.memory_space<semaphore_mem>>) src(%dma_wait3A_198 : memref<80xi32, #tpu.memory_space<hbm>>) dst(%dma_wait3A_195 : memref<80xi32, #tpu.memory_space<vmem>>)
    %dma_wait3A_199 = arith.constant 1 : i32
    %dma_wait3A_200 = arith.constant 1 : i32
    %dma_wait3A_201 = arith.constant 1 : i32
    %dma_wait3A_202 = arith.constant 0 : i32
    %dma_wait3A_203 = tpu.memref_slice %arg5[%rem3A_183, %dma_wait3A_201, %dma_wait3A_202] : memref<8x2x80xi32, #tpu.memory_space<vmem>> -> memref<1x1x80xi32, #tpu.memory_space<vmem>>
    %dma_wait3A_204 = tpu.memref_squeeze %dma_wait3A_203 : memref<1x1x80xi32, #tpu.memory_space<vmem>> -> memref<80xi32, #tpu.memory_space<vmem>>
    %dma_wait3A_205 = arith.constant 0 : i32
    %dma_wait3A_206 = tpu.memref_slice %arg3[%dma_wait3A_199, %add3A, %dma_wait3A_200, %dma_wait3A_205] : memref<2x32x125x80xi32, #tpu.memory_space<hbm>> -> memref<1x1x1x80xi32, #tpu.memory_space<hbm>>
    %dma_wait3A_207 = tpu.memref_squeeze %dma_wait3A_206 : memref<1x1x1x80xi32, #tpu.memory_space<hbm>> -> memref<80xi32, #tpu.memory_space<hbm>>
    %dma_wait3A_208 = arith.constant 0 : i32
    %dma_wait3A_209 = tpu.memref_slice %arg5[%rem3A_183, %dma_wait3A_201, %dma_wait3A_208] : memref<8x2x80xi32, #tpu.memory_space<vmem>> -> memref<1x1x80xi32, #tpu.memory_space<vmem>>
    %dma_wait3A_210 = tpu.memref_squeeze %dma_wait3A_209 : memref<1x1x80xi32, #tpu.memory_space<vmem>> -> memref<80xi32, #tpu.memory_space<vmem>>
    %dma_wait3A_211 = arith.constant 0 : i32
    %dma_wait3A_212 = tpu.memref_slice %arg3[%dma_wait3A_199, %add3A, %dma_wait3A_200, %dma_wait3A_211] : memref<2x32x125x80xi32, #tpu.memory_space<hbm>> -> memref<1x1x1x80xi32, #tpu.memory_space<hbm>>
    %dma_wait3A_213 = tpu.memref_squeeze %dma_wait3A_212 : memref<1x1x1x80xi32, #tpu.memory_space<hbm>> -> memref<80xi32, #tpu.memory_space<hbm>>
    tpu.wait_dma2 semaphore(%arg8 : memref<!tpu.dma_semaphore, #tpu.memory_space<semaphore_mem>>) src(%dma_wait3A_213 : memref<80xi32, #tpu.memory_space<hbm>>) dst(%dma_wait3A_210 : memref<80xi32, #tpu.memory_space<vmem>>)
    %rem3A_214 = arith.constant 1 : i32
    %rem3A_215 = arith.constant 4 : i32
    %rem3A_216 = arith.remsi %rem3A_214, %rem3A_215 : i32
    %mul3A_217 = arith.constant 80 : i32
    %mul3A_218 = arith.muli %rem3A_216, %mul3A_217 : i32
    %dma_start3A_219 = arith.constant 0 : i32
    %dma_start3A_220 = arith.constant 0 : i32
    %dma_start3A_221 = tpu.memref_slice %arg6[%mul3A_218, %dma_start3A_220] : memref<320x128xf32, #tpu.memory_space<vmem>> -> memref<80x128xf32, #tpu.memory_space<vmem>>
    %dma_start3A_222 = arith.constant 0 : i32
    %dma_start3A_223 = tpu.memref_slice %arg5[%rem3A_183, %dma_start3A_219, %dma_start3A_222] : memref<8x2x80xi32, #tpu.memory_space<vmem>> -> memref<1x1x80xi32, #tpu.memory_space<vmem>>
    %dma_start3A_224 = tpu.memref_squeeze %dma_start3A_223 : memref<1x1x80xi32, #tpu.memory_space<vmem>> -> memref<80xi32, #tpu.memory_space<vmem>>
    %dma_start3A_225 = arith.constant 0 : i32
    %dma_start3A_226 = arith.constant 0 : i32
    %dma_start3A_227 = tpu.memref_slice %arg2[%dma_start3A_225, %dma_start3A_226] : memref<10240x128xf32, #tpu.memory_space<hbm>> -> memref<10240x128xf32, #tpu.memory_space<hbm>>
    tpu.enqueue_indirect_dma source(%dma_start3A_227 : memref<10240x128xf32, #tpu.memory_space<hbm>>) target(%dma_start3A_221 : memref<80x128xf32, #tpu.memory_space<vmem>>) offsets(%dma_start3A_224 : memref<80xi32, #tpu.memory_space<vmem>>) semaphore(%arg9 : memref<!tpu.dma_semaphore, #tpu.memory_space<semaphore_mem>>)
    %scan3A = arith.constant 0 : i32
    %scan3A_228 = arith.constant 0 : i32
    %scan3A_229 = arith.constant 127 : i32
    %scan3A_230 = arith.addi %scan3A_228, %scan3A_229 : i32
    %scan3A_231 = arith.constant 1 : i32
    scf.for %scan3A_238 = %scan3A_228 to %scan3A_230 step %scan3A_231  : i32 {
      %lt3A = arith.constant 125 : i32
      %lt3A_239 = arith.cmpi slt, %scan3A_238, %lt3A : i32
      %convert_element_type3A = arith.extui %lt3A_239 : i1 to i32
      %cond3A = arith.constant 0 : i32
      %cond3A_240 = arith.cmpi ne, %convert_element_type3A, %cond3A : i32
      scf.if %cond3A_240 {
        %rem3A_259 = arith.constant 8 : i32
        %rem3A_260 = arith.remsi %scan3A_238, %rem3A_259 : i32
        %rem3A_261 = arith.constant 4 : i32
        %rem3A_262 = arith.remsi %scan3A_238, %rem3A_261 : i32
        %mul3A_263 = arith.constant 80 : i32
        %mul3A_264 = arith.muli %rem3A_262, %mul3A_263 : i32
        %dma_wait3A_265 = arith.constant 0 : i32
        %dma_wait3A_266 = arith.constant 0 : i32
        %dma_wait3A_267 = tpu.memref_slice %arg6[%mul3A_264, %dma_wait3A_266] : memref<320x128xf32, #tpu.memory_space<vmem>> -> memref<80x128xf32, #tpu.memory_space<vmem>>
        %dma_wait3A_268 = arith.constant 0 : i32
        %dma_wait3A_269 = tpu.memref_slice %arg5[%rem3A_260, %dma_wait3A_265, %dma_wait3A_268] : memref<8x2x80xi32, #tpu.memory_space<vmem>> -> memref<1x1x80xi32, #tpu.memory_space<vmem>>
        %dma_wait3A_270 = tpu.memref_squeeze %dma_wait3A_269 : memref<1x1x80xi32, #tpu.memory_space<vmem>> -> memref<80xi32, #tpu.memory_space<vmem>>
        %dma_wait3A_271 = arith.constant 0 : i32
        %dma_wait3A_272 = arith.constant 0 : i32
        %dma_wait3A_273 = tpu.memref_slice %arg2[%dma_wait3A_271, %dma_wait3A_272] : memref<10240x128xf32, #tpu.memory_space<hbm>> -> memref<10240x128xf32, #tpu.memory_space<hbm>>
        tpu.wait_indirect_dma semaphore(%arg9 : memref<!tpu.dma_semaphore, #tpu.memory_space<semaphore_mem>>) src(%dma_wait3A_273 : memref<10240x128xf32, #tpu.memory_space<hbm>>) dst(%dma_wait3A_267 : memref<80x128xf32, #tpu.memory_space<vmem>>)
        %dma_start3A_274 = arith.constant 1 : i32
        %dma_start3A_275 = arith.constant 0 : i32
        %dma_start3A_276 = tpu.memref_slice %arg6[%mul3A_264, %dma_start3A_275] : memref<320x128xf32, #tpu.memory_space<vmem>> -> memref<80x128xf32, #tpu.memory_space<vmem>>
        %dma_start3A_277 = arith.constant 0 : i32
        %dma_start3A_278 = tpu.memref_slice %arg5[%rem3A_260, %dma_start3A_274, %dma_start3A_277] : memref<8x2x80xi32, #tpu.memory_space<vmem>> -> memref<1x1x80xi32, #tpu.memory_space<vmem>>
        %dma_start3A_279 = tpu.memref_squeeze %dma_start3A_278 : memref<1x1x80xi32, #tpu.memory_space<vmem>> -> memref<80xi32, #tpu.memory_space<vmem>>
        %dma_start3A_280 = arith.constant 0 : i32
        %dma_start3A_281 = arith.constant 0 : i32
        %dma_start3A_282 = tpu.memref_slice %arg7[%dma_start3A_280, %dma_start3A_281] : memref<10240x128xf32, #tpu.memory_space<vmem_shared>> -> memref<10240x128xf32, #tpu.memory_space<vmem_shared>>
        tpu.enqueue_indirect_dma source(%dma_start3A_276 : memref<80x128xf32, #tpu.memory_space<vmem>>) target(%dma_start3A_282 : memref<10240x128xf32, #tpu.memory_space<vmem_shared>>) offsets(%dma_start3A_279 : memref<80xi32, #tpu.memory_space<vmem>>) semaphore(%arg10 : memref<!tpu.dma_semaphore, #tpu.memory_space<semaphore_mem>>) {add = true}
      } else {
      }
      %ge3A = arith.constant 2 : i32
      %ge3A_241 = arith.cmpi sge, %scan3A_238, %ge3A : i32
      %convert_element_type3A_242 = arith.extui %ge3A_241 : i1 to i32
      %cond3A_243 = arith.constant 0 : i32
      %cond3A_244 = arith.cmpi ne, %convert_element_type3A_242, %cond3A_243 : i32
      scf.if %cond3A_244 {
        %sub3A = arith.constant 2 : i32
        %sub3A_259 = arith.subi %scan3A_238, %sub3A : i32
        %rem3A_260 = arith.constant 8 : i32
        %rem3A_261 = arith.remsi %sub3A_259, %rem3A_260 : i32
        %rem3A_262 = arith.constant 4 : i32
        %rem3A_263 = arith.remsi %sub3A_259, %rem3A_262 : i32
        %mul3A_264 = arith.constant 80 : i32
        %mul3A_265 = arith.muli %rem3A_263, %mul3A_264 : i32
        %dma_wait3A_266 = arith.constant 1 : i32
        %dma_wait3A_267 = arith.constant 0 : i32
        %dma_wait3A_268 = tpu.memref_slice %arg6[%mul3A_265, %dma_wait3A_267] : memref<320x128xf32, #tpu.memory_space<vmem>> -> memref<80x128xf32, #tpu.memory_space<vmem>>
        %dma_wait3A_269 = arith.constant 0 : i32
        %dma_wait3A_270 = tpu.memref_slice %arg5[%rem3A_261, %dma_wait3A_266, %dma_wait3A_269] : memref<8x2x80xi32, #tpu.memory_space<vmem>> -> memref<1x1x80xi32, #tpu.memory_space<vmem>>
        %dma_wait3A_271 = tpu.memref_squeeze %dma_wait3A_270 : memref<1x1x80xi32, #tpu.memory_space<vmem>> -> memref<80xi32, #tpu.memory_space<vmem>>
        %dma_wait3A_272 = arith.constant 0 : i32
        %dma_wait3A_273 = arith.constant 0 : i32
        %dma_wait3A_274 = tpu.memref_slice %arg7[%dma_wait3A_272, %dma_wait3A_273] : memref<10240x128xf32, #tpu.memory_space<vmem_shared>> -> memref<10240x128xf32, #tpu.memory_space<vmem_shared>>
        tpu.wait_indirect_dma semaphore(%arg10 : memref<!tpu.dma_semaphore, #tpu.memory_space<semaphore_mem>>) src(%dma_wait3A_268 : memref<80x128xf32, #tpu.memory_space<vmem>>) dst(%dma_wait3A_274 : memref<10240x128xf32, #tpu.memory_space<vmem_shared>>)
      } else {
      }
      %add3A_245 = arith.constant 2 : i32
      %add3A_246 = arith.addi %scan3A_238, %add3A_245 : i32
      %lt3A_247 = arith.constant 125 : i32
      %lt3A_248 = arith.cmpi slt, %add3A_246, %lt3A_247 : i32
      %convert_element_type3A_249 = arith.extui %lt3A_248 : i1 to i32
      %cond3A_250 = arith.constant 0 : i32
      %cond3A_251 = arith.cmpi ne, %convert_element_type3A_249, %cond3A_250 : i32
      scf.if %cond3A_251 {
        %add3A_259 = arith.constant 2 : i32
        %add3A_260 = arith.addi %scan3A_238, %add3A_259 : i32
        %rem3A_261 = arith.constant 8 : i32
        %rem3A_262 = arith.remsi %add3A_260, %rem3A_261 : i32
        %dma_wait3A_263 = arith.constant 0 : i32
        %dma_wait3A_264 = arith.constant 0 : i32
        %dma_wait3A_265 = arith.constant 0 : i32
        %dma_wait3A_266 = tpu.memref_slice %arg5[%rem3A_262, %dma_wait3A_264, %dma_wait3A_265] : memref<8x2x80xi32, #tpu.memory_space<vmem>> -> memref<1x1x80xi32, #tpu.memory_space<vmem>>
        %dma_wait3A_267 = tpu.memref_squeeze %dma_wait3A_266 : memref<1x1x80xi32, #tpu.memory_space<vmem>> -> memref<80xi32, #tpu.memory_space<vmem>>
        %dma_wait3A_268 = arith.constant 0 : i32
        %dma_wait3A_269 = tpu.memref_slice %arg3[%dma_wait3A_263, %add3A, %add3A_260, %dma_wait3A_268] : memref<2x32x125x80xi32, #tpu.memory_space<hbm>> -> memref<1x1x1x80xi32, #tpu.memory_space<hbm>>
        %dma_wait3A_270 = tpu.memref_squeeze %dma_wait3A_269 : memref<1x1x1x80xi32, #tpu.memory_space<hbm>> -> memref<80xi32, #tpu.memory_space<hbm>>
        %dma_wait3A_271 = arith.constant 0 : i32
        %dma_wait3A_272 = tpu.memref_slice %arg5[%rem3A_262, %dma_wait3A_264, %dma_wait3A_271] : memref<8x2x80xi32, #tpu.memory_space<vmem>> -> memref<1x1x80xi32, #tpu.memory_space<vmem>>
        %dma_wait3A_273 = tpu.memref_squeeze %dma_wait3A_272 : memref<1x1x80xi32, #tpu.memory_space<vmem>> -> memref<80xi32, #tpu.memory_space<vmem>>
        %dma_wait3A_274 = arith.constant 0 : i32
        %dma_wait3A_275 = tpu.memref_slice %arg3[%dma_wait3A_263, %add3A, %add3A_260, %dma_wait3A_274] : memref<2x32x125x80xi32, #tpu.memory_space<hbm>> -> memref<1x1x1x80xi32, #tpu.memory_space<hbm>>
        %dma_wait3A_276 = tpu.memref_squeeze %dma_wait3A_275 : memref<1x1x1x80xi32, #tpu.memory_space<hbm>> -> memref<80xi32, #tpu.memory_space<hbm>>
        tpu.wait_dma2 semaphore(%arg8 : memref<!tpu.dma_semaphore, #tpu.memory_space<semaphore_mem>>) src(%dma_wait3A_276 : memref<80xi32, #tpu.memory_space<hbm>>) dst(%dma_wait3A_273 : memref<80xi32, #tpu.memory_space<vmem>>)
        %dma_wait3A_277 = arith.constant 1 : i32
        %dma_wait3A_278 = arith.constant 1 : i32
        %dma_wait3A_279 = arith.constant 0 : i32
        %dma_wait3A_280 = tpu.memref_slice %arg5[%rem3A_262, %dma_wait3A_278, %dma_wait3A_279] : memref<8x2x80xi32, #tpu.memory_space<vmem>> -> memref<1x1x80xi32, #tpu.memory_space<vmem>>
        %dma_wait3A_281 = tpu.memref_squeeze %dma_wait3A_280 : memref<1x1x80xi32, #tpu.memory_space<vmem>> -> memref<80xi32, #tpu.memory_space<vmem>>
        %dma_wait3A_282 = arith.constant 0 : i32
        %dma_wait3A_283 = tpu.memref_slice %arg3[%dma_wait3A_277, %add3A, %add3A_260, %dma_wait3A_282] : memref<2x32x125x80xi32, #tpu.memory_space<hbm>> -> memref<1x1x1x80xi32, #tpu.memory_space<hbm>>
        %dma_wait3A_284 = tpu.memref_squeeze %dma_wait3A_283 : memref<1x1x1x80xi32, #tpu.memory_space<hbm>> -> memref<80xi32, #tpu.memory_space<hbm>>
        %dma_wait3A_285 = arith.constant 0 : i32
        %dma_wait3A_286 = tpu.memref_slice %arg5[%rem3A_262, %dma_wait3A_278, %dma_wait3A_285] : memref<8x2x80xi32, #tpu.memory_space<vmem>> -> memref<1x1x80xi32, #tpu.memory_space<vmem>>
        %dma_wait3A_287 = tpu.memref_squeeze %dma_wait3A_286 : memref<1x1x80xi32, #tpu.memory_space<vmem>> -> memref<80xi32, #tpu.memory_space<vmem>>
        %dma_wait3A_288 = arith.constant 0 : i32
        %dma_wait3A_289 = tpu.memref_slice %arg3[%dma_wait3A_277, %add3A, %add3A_260, %dma_wait3A_288] : memref<2x32x125x80xi32, #tpu.memory_space<hbm>> -> memref<1x1x1x80xi32, #tpu.memory_space<hbm>>
        %dma_wait3A_290 = tpu.memref_squeeze %dma_wait3A_289 : memref<1x1x1x80xi32, #tpu.memory_space<hbm>> -> memref<80xi32, #tpu.memory_space<hbm>>
        tpu.wait_dma2 semaphore(%arg8 : memref<!tpu.dma_semaphore, #tpu.memory_space<semaphore_mem>>) src(%dma_wait3A_290 : memref<80xi32, #tpu.memory_space<hbm>>) dst(%dma_wait3A_287 : memref<80xi32, #tpu.memory_space<vmem>>)
        %rem3A_291 = arith.constant 4 : i32
        %rem3A_292 = arith.remsi %add3A_260, %rem3A_291 : i32
        %mul3A_293 = arith.constant 80 : i32
        %mul3A_294 = arith.muli %rem3A_292, %mul3A_293 : i32
        %dma_start3A_295 = arith.constant 0 : i32
        %dma_start3A_296 = arith.constant 0 : i32
        %dma_start3A_297 = tpu.memref_slice %arg6[%mul3A_294, %dma_start3A_296] : memref<320x128xf32, #tpu.memory_space<vmem>> -> memref<80x128xf32, #tpu.memory_space<vmem>>
        %dma_start3A_298 = arith.constant 0 : i32
        %dma_start3A_299 = tpu.memref_slice %arg5[%rem3A_262, %dma_start3A_295, %dma_start3A_298] : memref<8x2x80xi32, #tpu.memory_space<vmem>> -> memref<1x1x80xi32, #tpu.memory_space<vmem>>
        %dma_start3A_300 = tpu.memref_squeeze %dma_start3A_299 : memref<1x1x80xi32, #tpu.memory_space<vmem>> -> memref<80xi32, #tpu.memory_space<vmem>>
        %dma_start3A_301 = arith.constant 0 : i32
        %dma_start3A_302 = arith.constant 0 : i32
        %dma_start3A_303 = tpu.memref_slice %arg2[%dma_start3A_301, %dma_start3A_302] : memref<10240x128xf32, #tpu.memory_space<hbm>> -> memref<10240x128xf32, #tpu.memory_space<hbm>>
        tpu.enqueue_indirect_dma source(%dma_start3A_303 : memref<10240x128xf32, #tpu.memory_space<hbm>>) target(%dma_start3A_297 : memref<80x128xf32, #tpu.memory_space<vmem>>) offsets(%dma_start3A_300 : memref<80xi32, #tpu.memory_space<vmem>>) semaphore(%arg9 : memref<!tpu.dma_semaphore, #tpu.memory_space<semaphore_mem>>)
      } else {
      }
      %add3A_252 = arith.constant 4 : i32
      %add3A_253 = arith.addi %scan3A_238, %add3A_252 : i32
      %lt3A_254 = arith.constant 125 : i32
      %lt3A_255 = arith.cmpi slt, %add3A_253, %lt3A_254 : i32
      %convert_element_type3A_256 = arith.extui %lt3A_255 : i1 to i32
      %cond3A_257 = arith.constant 0 : i32
      %cond3A_258 = arith.cmpi ne, %convert_element_type3A_256, %cond3A_257 : i32
      scf.if %cond3A_258 {
        %add3A_259 = arith.constant 4 : i32
        %add3A_260 = arith.addi %scan3A_238, %add3A_259 : i32
        %rem3A_261 = arith.constant 8 : i32
        %rem3A_262 = arith.remsi %add3A_260, %rem3A_261 : i32
        %dma_start3A_263 = arith.constant 0 : i32
        %dma_start3A_264 = arith.constant 0 : i32
        %dma_start3A_265 = arith.constant 0 : i32
        %dma_start3A_266 = tpu.memref_slice %arg5[%rem3A_262, %dma_start3A_264, %dma_start3A_265] : memref<8x2x80xi32, #tpu.memory_space<vmem>> -> memref<1x1x80xi32, #tpu.memory_space<vmem>>
        %dma_start3A_267 = tpu.memref_squeeze %dma_start3A_266 : memref<1x1x80xi32, #tpu.memory_space<vmem>> -> memref<80xi32, #tpu.memory_space<vmem>>
        %dma_start3A_268 = arith.constant 0 : i32
        %dma_start3A_269 = tpu.memref_slice %arg3[%dma_start3A_263, %add3A, %add3A_260, %dma_start3A_268] : memref<2x32x125x80xi32, #tpu.memory_space<hbm>> -> memref<1x1x1x80xi32, #tpu.memory_space<hbm>>
        %dma_start3A_270 = tpu.memref_squeeze %dma_start3A_269 : memref<1x1x1x80xi32, #tpu.memory_space<hbm>> -> memref<80xi32, #tpu.memory_space<hbm>>
        %dma_start3A_271 = arith.constant 0 : i32
        %dma_start3A_272 = tpu.memref_slice %arg5[%rem3A_262, %dma_start3A_264, %dma_start3A_271] : memref<8x2x80xi32, #tpu.memory_space<vmem>> -> memref<1x1x80xi32, #tpu.memory_space<vmem>>
        %dma_start3A_273 = tpu.memref_squeeze %dma_start3A_272 : memref<1x1x80xi32, #tpu.memory_space<vmem>> -> memref<80xi32, #tpu.memory_space<vmem>>
        %dma_start3A_274 = arith.constant 0 : i32
        %dma_start3A_275 = tpu.memref_slice %arg3[%dma_start3A_263, %add3A, %add3A_260, %dma_start3A_274] : memref<2x32x125x80xi32, #tpu.memory_space<hbm>> -> memref<1x1x1x80xi32, #tpu.memory_space<hbm>>
        %dma_start3A_276 = tpu.memref_squeeze %dma_start3A_275 : memref<1x1x1x80xi32, #tpu.memory_space<hbm>> -> memref<80xi32, #tpu.memory_space<hbm>>
        tpu.enqueue_dma source(%dma_start3A_276 : memref<80xi32, #tpu.memory_space<hbm>>) target(%dma_start3A_273 : memref<80xi32, #tpu.memory_space<vmem>>) target_semaphore(%arg8 : memref<!tpu.dma_semaphore, #tpu.memory_space<semaphore_mem>>)
        %dma_start3A_277 = arith.constant 1 : i32
        %dma_start3A_278 = arith.constant 1 : i32
        %dma_start3A_279 = arith.constant 0 : i32
        %dma_start3A_280 = tpu.memref_slice %arg5[%rem3A_262, %dma_start3A_278, %dma_start3A_279] : memref<8x2x80xi32, #tpu.memory_space<vmem>> -> memref<1x1x80xi32, #tpu.memory_space<vmem>>
        %dma_start3A_281 = tpu.memref_squeeze %dma_start3A_280 : memref<1x1x80xi32, #tpu.memory_space<vmem>> -> memref<80xi32, #tpu.memory_space<vmem>>
        %dma_start3A_282 = arith.constant 0 : i32
        %dma_start3A_283 = tpu.memref_slice %arg3[%dma_start3A_277, %add3A, %add3A_260, %dma_start3A_282] : memref<2x32x125x80xi32, #tpu.memory_space<hbm>> -> memref<1x1x1x80xi32, #tpu.memory_space<hbm>>
        %dma_start3A_284 = tpu.memref_squeeze %dma_start3A_283 : memref<1x1x1x80xi32, #tpu.memory_space<hbm>> -> memref<80xi32, #tpu.memory_space<hbm>>
        %dma_start3A_285 = arith.constant 0 : i32
        %dma_start3A_286 = tpu.memref_slice %arg5[%rem3A_262, %dma_start3A_278, %dma_start3A_285] : memref<8x2x80xi32, #tpu.memory_space<vmem>> -> memref<1x1x80xi32, #tpu.memory_space<vmem>>
        %dma_start3A_287 = tpu.memref_squeeze %dma_start3A_286 : memref<1x1x80xi32, #tpu.memory_space<vmem>> -> memref<80xi32, #tpu.memory_space<vmem>>
        %dma_start3A_288 = arith.constant 0 : i32
        %dma_start3A_289 = tpu.memref_slice %arg3[%dma_start3A_277, %add3A, %add3A_260, %dma_start3A_288] : memref<2x32x125x80xi32, #tpu.memory_space<hbm>> -> memref<1x1x1x80xi32, #tpu.memory_space<hbm>>
        %dma_start3A_290 = tpu.memref_squeeze %dma_start3A_289 : memref<1x1x1x80xi32, #tpu.memory_space<hbm>> -> memref<80xi32, #tpu.memory_space<hbm>>
        tpu.enqueue_dma source(%dma_start3A_290 : memref<80xi32, #tpu.memory_space<hbm>>) target(%dma_start3A_287 : memref<80xi32, #tpu.memory_space<vmem>>) target_semaphore(%arg8 : memref<!tpu.dma_semaphore, #tpu.memory_space<semaphore_mem>>)
      } else {
      }
    }
    %scan3A_232 = arith.constant 127 : i32
    %barrier3A_233 = arith.constant 0 : index
    tpu.barrier barrier_id(%barrier3A_233)
    %mul3A_234 = arith.constant 640 : i32
    %mul3A_235 = arith.muli %arg1, %mul3A_234 : i32
    %mul3A_236 = arith.constant 640 : i32
    %mul3A_237 = arith.muli %arg1, %mul3A_236 : i32
    "tpu.region"() ({
      %run_scoped3A = tpu.sem_alloc : memref<!tpu.dma_semaphore, #tpu.memory_space<semaphore_mem>>
      %dma_start3A_238 = arith.constant 0 : i32
      %dma_start3A_239 = tpu.memref_slice %arg4[%arg0, %mul3A_237, %dma_start3A_238] : memref<2x10240x128xf32, #tpu.memory_space<hbm>> -> memref<1x640x128xf32, #tpu.memory_space<hbm>>
      %dma_start3A_240 = tpu.memref_squeeze %dma_start3A_239 : memref<1x640x128xf32, #tpu.memory_space<hbm>> -> memref<640x128xf32, #tpu.memory_space<hbm>>
      %dma_start3A_241 = arith.constant 0 : i32
      %dma_start3A_242 = tpu.memref_slice %arg7[%mul3A_235, %dma_start3A_241] : memref<10240x128xf32, #tpu.memory_space<vmem_shared>> -> memref<640x128xf32, #tpu.memory_space<vmem_shared>>
      tpu.enqueue_dma source(%dma_start3A_242 : memref<640x128xf32, #tpu.memory_space<vmem_shared>>) target(%dma_start3A_240 : memref<640x128xf32, #tpu.memory_space<hbm>>) target_semaphore(%run_scoped3A : memref<!tpu.dma_semaphore, #tpu.memory_space<semaphore_mem>>)
      %dma_wait3A_243 = arith.constant 0 : i32
      %dma_wait3A_244 = tpu.memref_slice %arg4[%arg0, %mul3A_237, %dma_wait3A_243] : memref<2x10240x128xf32, #tpu.memory_space<hbm>> -> memref<1x640x128xf32, #tpu.memory_space<hbm>>
      %dma_wait3A_245 = tpu.memref_squeeze %dma_wait3A_244 : memref<1x640x128xf32, #tpu.memory_space<hbm>> -> memref<640x128xf32, #tpu.memory_space<hbm>>
      %dma_wait3A_246 = arith.constant 0 : i32
      %dma_wait3A_247 = tpu.memref_slice %arg7[%mul3A_235, %dma_wait3A_246] : memref<10240x128xf32, #tpu.memory_space<vmem_shared>> -> memref<640x128xf32, #tpu.memory_space<vmem_shared>>
      tpu.wait_dma2 semaphore(%run_scoped3A : memref<!tpu.dma_semaphore, #tpu.memory_space<semaphore_mem>>) src(%dma_wait3A_247 : memref<640x128xf32, #tpu.memory_space<vmem_shared>>) dst(%dma_wait3A_245 : memref<640x128xf32, #tpu.memory_space<hbm>>)
      tpu.yield
    }) : () -> ()
    return
  }
}

#map = affine_map<(d0, d1) -> (0, 0, 0)>
#map1 = affine_map<(d0, d1) -> (0)>
#map2 = affine_map<(d0, d1) -> (0, 0)>
module attributes {stable_mosaic.version = 14 : i64} {
  func.func @_deg_kernel(%arg0: i32, %arg1: i32, %arg2: memref<32x125x80xi32, #tpu.memory_space<hbm>>, %arg3: memref<10240xf32, #tpu.memory_space<hbm>>, %arg4: memref<2x10240xf32, #tpu.memory_space<hbm>>, %arg5: memref<125x80xi32, #tpu.memory_space<vmem>>, %arg6: memref<80xf32, #tpu.memory_space<vmem>>, %arg7: memref<10240xf32, #tpu.memory_space<vmem_shared>>, %arg8: memref<!tpu.dma_semaphore, #tpu.memory_space<semaphore_mem>>) attributes {dimension_semantics = [#tpu.dimension_semantics<core_parallel>, #tpu.dimension_semantics<subcore_parallel>], iteration_bounds = array<i64: 2, 16>, scalar_prefetch = 0 : i64, scratch_operands = 4 : i64, tpu.core_type = #tpu.core_type<sc_vector_subcore>, window_params = [{transform_indices = #map}, {transform_indices = #map1}, {transform_indices = #map2}]} {
    %mul3A = arith.constant 2 : i32
    %mul3A_0 = arith.muli %arg1, %mul3A : i32
    %add3A = arith.addi %mul3A_0, %arg0 : i32
    "tpu.region"() ({
      %run_scoped3A = tpu.sem_alloc : memref<!tpu.dma_semaphore, #tpu.memory_space<semaphore_mem>>
      %dma_start3A = arith.constant 0 : i32
      %dma_start3A_43 = arith.constant 0 : i32
      %dma_start3A_44 = tpu.memref_slice %arg2[%add3A, %dma_start3A, %dma_start3A_43] : memref<32x125x80xi32, #tpu.memory_space<hbm>> -> memref<1x125x80xi32, #tpu.memory_space<hbm>>
      %dma_start3A_45 = tpu.memref_squeeze %dma_start3A_44 : memref<1x125x80xi32, #tpu.memory_space<hbm>> -> memref<125x80xi32, #tpu.memory_space<hbm>>
      %dma_start3A_46 = arith.constant 0 : i32
      %dma_start3A_47 = arith.constant 0 : i32
      %dma_start3A_48 = tpu.memref_slice %arg2[%add3A, %dma_start3A_46, %dma_start3A_47] : memref<32x125x80xi32, #tpu.memory_space<hbm>> -> memref<1x125x80xi32, #tpu.memory_space<hbm>>
      %dma_start3A_49 = tpu.memref_squeeze %dma_start3A_48 : memref<1x125x80xi32, #tpu.memory_space<hbm>> -> memref<125x80xi32, #tpu.memory_space<hbm>>
      tpu.enqueue_dma source(%dma_start3A_49 : memref<125x80xi32, #tpu.memory_space<hbm>>) target(%arg5 : memref<125x80xi32, #tpu.memory_space<vmem>>) target_semaphore(%run_scoped3A : memref<!tpu.dma_semaphore, #tpu.memory_space<semaphore_mem>>)
      %dma_wait3A = arith.constant 0 : i32
      %dma_wait3A_50 = arith.constant 0 : i32
      %dma_wait3A_51 = tpu.memref_slice %arg2[%add3A, %dma_wait3A, %dma_wait3A_50] : memref<32x125x80xi32, #tpu.memory_space<hbm>> -> memref<1x125x80xi32, #tpu.memory_space<hbm>>
      %dma_wait3A_52 = tpu.memref_squeeze %dma_wait3A_51 : memref<1x125x80xi32, #tpu.memory_space<hbm>> -> memref<125x80xi32, #tpu.memory_space<hbm>>
      %dma_wait3A_53 = arith.constant 0 : i32
      %dma_wait3A_54 = arith.constant 0 : i32
      %dma_wait3A_55 = tpu.memref_slice %arg2[%add3A, %dma_wait3A_53, %dma_wait3A_54] : memref<32x125x80xi32, #tpu.memory_space<hbm>> -> memref<1x125x80xi32, #tpu.memory_space<hbm>>
      %dma_wait3A_56 = tpu.memref_squeeze %dma_wait3A_55 : memref<1x125x80xi32, #tpu.memory_space<hbm>> -> memref<125x80xi32, #tpu.memory_space<hbm>>
      tpu.wait_dma2 semaphore(%run_scoped3A : memref<!tpu.dma_semaphore, #tpu.memory_space<semaphore_mem>>) src(%dma_wait3A_56 : memref<125x80xi32, #tpu.memory_space<hbm>>) dst(%arg5 : memref<125x80xi32, #tpu.memory_space<vmem>>)
      tpu.yield
    }) : () -> ()
    %broadcast_in_dim3A = arith.constant 1.000000e+00 : f32
    %broadcast_in_dim3A_1 = vector.broadcast %broadcast_in_dim3A : f32 to vector<16xf32>
    %swap3A = arith.constant 0 : index
    %swap3A_2 = tpu.vector_load %arg6[%swap3A] {strides = array<i32>} : memref<80xf32, #tpu.memory_space<vmem>>, vector<16xf32>,
    %swap3A_3 = vector.shape_cast %swap3A_2 : vector<16xf32> to vector<16xf32>
    %swap3A_4 = vector.shape_cast %broadcast_in_dim3A_1 : vector<16xf32> to vector<16xf32>
    tpu.vector_store %arg6[%swap3A], %swap3A_4 {strides = array<i32>} : memref<80xf32, #tpu.memory_space<vmem>>, vector<16xf32>,
    %broadcast_in_dim3A_5 = arith.constant 1.000000e+00 : f32
    %broadcast_in_dim3A_6 = vector.broadcast %broadcast_in_dim3A_5 : f32 to vector<16xf32>
    %swap3A_7 = arith.constant 16 : index
    %swap3A_8 = tpu.vector_load %arg6[%swap3A_7] {strides = array<i32>} : memref<80xf32, #tpu.memory_space<vmem>>, vector<16xf32>,
    %swap3A_9 = vector.shape_cast %swap3A_8 : vector<16xf32> to vector<16xf32>
    %swap3A_10 = vector.shape_cast %broadcast_in_dim3A_6 : vector<16xf32> to vector<16xf32>
    tpu.vector_store %arg6[%swap3A_7], %swap3A_10 {strides = array<i32>} : memref<80xf32, #tpu.memory_space<vmem>>, vector<16xf32>,
    %broadcast_in_dim3A_11 = arith.constant 1.000000e+00 : f32
    %broadcast_in_dim3A_12 = vector.broadcast %broadcast_in_dim3A_11 : f32 to vector<16xf32>
    %swap3A_13 = arith.constant 32 : index
    %swap3A_14 = tpu.vector_load %arg6[%swap3A_13] {strides = array<i32>} : memref<80xf32, #tpu.memory_space<vmem>>, vector<16xf32>,
    %swap3A_15 = vector.shape_cast %swap3A_14 : vector<16xf32> to vector<16xf32>
    %swap3A_16 = vector.shape_cast %broadcast_in_dim3A_12 : vector<16xf32> to vector<16xf32>
    tpu.vector_store %arg6[%swap3A_13], %swap3A_16 {strides = array<i32>} : memref<80xf32, #tpu.memory_space<vmem>>, vector<16xf32>,
    %broadcast_in_dim3A_17 = arith.constant 1.000000e+00 : f32
    %broadcast_in_dim3A_18 = vector.broadcast %broadcast_in_dim3A_17 : f32 to vector<16xf32>
    %swap3A_19 = arith.constant 48 : index
    %swap3A_20 = tpu.vector_load %arg6[%swap3A_19] {strides = array<i32>} : memref<80xf32, #tpu.memory_space<vmem>>, vector<16xf32>,
    %swap3A_21 = vector.shape_cast %swap3A_20 : vector<16xf32> to vector<16xf32>
    %swap3A_22 = vector.shape_cast %broadcast_in_dim3A_18 : vector<16xf32> to vector<16xf32>
    tpu.vector_store %arg6[%swap3A_19], %swap3A_22 {strides = array<i32>} : memref<80xf32, #tpu.memory_space<vmem>>, vector<16xf32>,
    %broadcast_in_dim3A_23 = arith.constant 1.000000e+00 : f32
    %broadcast_in_dim3A_24 = vector.broadcast %broadcast_in_dim3A_23 : f32 to vector<16xf32>
    %swap3A_25 = arith.constant 64 : index
    %swap3A_26 = tpu.vector_load %arg6[%swap3A_25] {strides = array<i32>} : memref<80xf32, #tpu.memory_space<vmem>>, vector<16xf32>,
    %swap3A_27 = vector.shape_cast %swap3A_26 : vector<16xf32> to vector<16xf32>
    %swap3A_28 = vector.shape_cast %broadcast_in_dim3A_24 : vector<16xf32> to vector<16xf32>
    tpu.vector_store %arg6[%swap3A_25], %swap3A_28 {strides = array<i32>} : memref<80xf32, #tpu.memory_space<vmem>>, vector<16xf32>,
    %mul3A_29 = arith.constant 640 : i32
    %mul3A_30 = arith.muli %arg1, %mul3A_29 : i32
    %mul3A_31 = arith.constant 640 : i32
    %mul3A_32 = arith.muli %arg1, %mul3A_31 : i32
    "tpu.region"() ({
      %run_scoped3A = tpu.sem_alloc : memref<!tpu.dma_semaphore, #tpu.memory_space<semaphore_mem>>
      %dma_start3A = tpu.memref_slice %arg7[%mul3A_32] : memref<10240xf32, #tpu.memory_space<vmem_shared>> -> memref<640xf32, #tpu.memory_space<vmem_shared>>
      %dma_start3A_43 = tpu.memref_slice %arg3[%mul3A_30] : memref<10240xf32, #tpu.memory_space<hbm>> -> memref<640xf32, #tpu.memory_space<hbm>>
      tpu.enqueue_dma source(%dma_start3A_43 : memref<640xf32, #tpu.memory_space<hbm>>) target(%dma_start3A : memref<640xf32, #tpu.memory_space<vmem_shared>>) target_semaphore(%run_scoped3A : memref<!tpu.dma_semaphore, #tpu.memory_space<semaphore_mem>>)
      %dma_wait3A = tpu.memref_slice %arg7[%mul3A_32] : memref<10240xf32, #tpu.memory_space<vmem_shared>> -> memref<640xf32, #tpu.memory_space<vmem_shared>>
      %dma_wait3A_44 = tpu.memref_slice %arg3[%mul3A_30] : memref<10240xf32, #tpu.memory_space<hbm>> -> memref<640xf32, #tpu.memory_space<hbm>>
      tpu.wait_dma2 semaphore(%run_scoped3A : memref<!tpu.dma_semaphore, #tpu.memory_space<semaphore_mem>>) src(%dma_wait3A_44 : memref<640xf32, #tpu.memory_space<hbm>>) dst(%dma_wait3A : memref<640xf32, #tpu.memory_space<vmem_shared>>)
      tpu.yield
    }) : () -> ()
    %barrier3A = arith.constant 0 : index
    tpu.barrier barrier_id(%barrier3A)
    %scan3A = arith.constant 0 : i32
    %scan3A_33 = arith.constant 0 : i32
    %scan3A_34 = arith.constant 129 : i32
    %scan3A_35 = arith.addi %scan3A_33, %scan3A_34 : i32
    %scan3A_36 = arith.constant 1 : i32
    scf.for %scan3A_43 = %scan3A_33 to %scan3A_35 step %scan3A_36  : i32 {
      %lt3A = arith.constant 125 : i32
      %lt3A_44 = arith.cmpi slt, %scan3A_43, %lt3A : i32
      %convert_element_type3A = arith.extui %lt3A_44 : i1 to i32
      %cond3A = arith.constant 0 : i32
      %cond3A_45 = arith.cmpi ne, %convert_element_type3A, %cond3A : i32
      scf.if %cond3A_45 {
        %dma_start3A = arith.constant 0 : i32
        %dma_start3A_50 = tpu.memref_slice %arg5[%scan3A_43, %dma_start3A] : memref<125x80xi32, #tpu.memory_space<vmem>> -> memref<1x80xi32, #tpu.memory_space<vmem>>
        %dma_start3A_51 = tpu.memref_squeeze %dma_start3A_50 : memref<1x80xi32, #tpu.memory_space<vmem>> -> memref<80xi32, #tpu.memory_space<vmem>>
        %dma_start3A_52 = arith.constant 0 : i32
        %dma_start3A_53 = tpu.memref_slice %arg7[%dma_start3A_52] : memref<10240xf32, #tpu.memory_space<vmem_shared>> -> memref<10240xf32, #tpu.memory_space<vmem_shared>>
        tpu.enqueue_indirect_dma source(%arg6 : memref<80xf32, #tpu.memory_space<vmem>>) target(%dma_start3A_53 : memref<10240xf32, #tpu.memory_space<vmem_shared>>) offsets(%dma_start3A_51 : memref<80xi32, #tpu.memory_space<vmem>>) semaphore(%arg8 : memref<!tpu.dma_semaphore, #tpu.memory_space<semaphore_mem>>) {add = true}
      } else {
      }
      %ge3A = arith.constant 4 : i32
      %ge3A_46 = arith.cmpi sge, %scan3A_43, %ge3A : i32
      %convert_element_type3A_47 = arith.extui %ge3A_46 : i1 to i32
      %cond3A_48 = arith.constant 0 : i32
      %cond3A_49 = arith.cmpi ne, %convert_element_type3A_47, %cond3A_48 : i32
      scf.if %cond3A_49 {
        %sub3A = arith.constant 4 : i32
        %sub3A_50 = arith.subi %scan3A_43, %sub3A : i32
        %dma_wait3A = arith.constant 0 : i32
        %dma_wait3A_51 = tpu.memref_slice %arg5[%sub3A_50, %dma_wait3A] : memref<125x80xi32, #tpu.memory_space<vmem>> -> memref<1x80xi32, #tpu.memory_space<vmem>>
        %dma_wait3A_52 = tpu.memref_squeeze %dma_wait3A_51 : memref<1x80xi32, #tpu.memory_space<vmem>> -> memref<80xi32, #tpu.memory_space<vmem>>
        %dma_wait3A_53 = arith.constant 0 : i32
        %dma_wait3A_54 = tpu.memref_slice %arg7[%dma_wait3A_53] : memref<10240xf32, #tpu.memory_space<vmem_shared>> -> memref<10240xf32, #tpu.memory_space<vmem_shared>>
        tpu.wait_indirect_dma semaphore(%arg8 : memref<!tpu.dma_semaphore, #tpu.memory_space<semaphore_mem>>) src(%arg6 : memref<80xf32, #tpu.memory_space<vmem>>) dst(%dma_wait3A_54 : memref<10240xf32, #tpu.memory_space<vmem_shared>>)
      } else {
      }
    }
    %scan3A_37 = arith.constant 129 : i32
    %barrier3A_38 = arith.constant 0 : index
    tpu.barrier barrier_id(%barrier3A_38)
    %mul3A_39 = arith.constant 640 : i32
    %mul3A_40 = arith.muli %arg1, %mul3A_39 : i32
    %mul3A_41 = arith.constant 640 : i32
    %mul3A_42 = arith.muli %arg1, %mul3A_41 : i32
    "tpu.region"() ({
      %run_scoped3A = tpu.sem_alloc : memref<!tpu.dma_semaphore, #tpu.memory_space<semaphore_mem>>
      %dma_start3A = tpu.memref_slice %arg4[%arg0, %mul3A_42] : memref<2x10240xf32, #tpu.memory_space<hbm>> -> memref<1x640xf32, #tpu.memory_space<hbm>>
      %dma_start3A_43 = tpu.memref_squeeze %dma_start3A : memref<1x640xf32, #tpu.memory_space<hbm>> -> memref<640xf32, #tpu.memory_space<hbm>>
      %dma_start3A_44 = tpu.memref_slice %arg7[%mul3A_40] : memref<10240xf32, #tpu.memory_space<vmem_shared>> -> memref<640xf32, #tpu.memory_space<vmem_shared>>
      tpu.enqueue_dma source(%dma_start3A_44 : memref<640xf32, #tpu.memory_space<vmem_shared>>) target(%dma_start3A_43 : memref<640xf32, #tpu.memory_space<hbm>>) target_semaphore(%run_scoped3A : memref<!tpu.dma_semaphore, #tpu.memory_space<semaphore_mem>>)
      %dma_wait3A = tpu.memref_slice %arg4[%arg0, %mul3A_42] : memref<2x10240xf32, #tpu.memory_space<hbm>> -> memref<1x640xf32, #tpu.memory_space<hbm>>
      %dma_wait3A_45 = tpu.memref_squeeze %dma_wait3A : memref<1x640xf32, #tpu.memory_space<hbm>> -> memref<640xf32, #tpu.memory_space<hbm>>
      %dma_wait3A_46 = tpu.memref_slice %arg7[%mul3A_40] : memref<10240xf32, #tpu.memory_space<vmem_shared>> -> memref<640xf32, #tpu.memory_space<vmem_shared>>
      tpu.wait_dma2 semaphore(%run_scoped3A : memref<!tpu.dma_semaphore, #tpu.memory_space<semaphore_mem>>) src(%dma_wait3A_46 : memref<640xf32, #tpu.memory_space<vmem_shared>>) dst(%dma_wait3A_45 : memref<640xf32, #tpu.memory_space<hbm>>)
      tpu.yield
    }) : () -> ()
    return
  }
}

#map = affine_map<(d0, d1) -> (0, 0)>
#map1 = affine_map<(d0, d1) -> (0, 0, 0, 0)>
#map2 = affine_map<(d0, d1) -> (0, 0, 0)>
module attributes {stable_mosaic.version = 14 : i64} {
  func.func @_scatter_kernel(%arg0: i32, %arg1: i32, %arg2: memref<10240x128xf32, #tpu.memory_space<hbm>>, %arg3: memref<2x32x125x80xi32, #tpu.memory_space<hbm>>, %arg4: memref<2x10240x128xf32, #tpu.memory_space<hbm>>, %arg5: memref<8x2x80xi32, #tpu.memory_space<vmem>>, %arg6: memref<320x128xf32, #tpu.memory_space<vmem>>, %arg7: memref<10240x128xf32, #tpu.memory_space<vmem_shared>>, %arg8: memref<!tpu.dma_semaphore, #tpu.memory_space<semaphore_mem>>, %arg9: memref<!tpu.dma_semaphore, #tpu.memory_space<semaphore_mem>>, %arg10: memref<!tpu.dma_semaphore, #tpu.memory_space<semaphore_mem>>) attributes {dimension_semantics = [#tpu.dimension_semantics<core_parallel>, #tpu.dimension_semantics<subcore_parallel>], iteration_bounds = array<i64: 2, 16>, scalar_prefetch = 0 : i64, scratch_operands = 6 : i64, tpu.core_type = #tpu.core_type<sc_vector_subcore>, window_params = [{transform_indices = #map}, {transform_indices = #map1}, {transform_indices = #map2}]} {
    %mul3A = arith.constant 2 : i32
    %mul3A_0 = arith.muli %arg1, %mul3A : i32
    %add3A = arith.addi %mul3A_0, %arg0 : i32
    %mul3A_1 = arith.constant 640 : i32
    %mul3A_2 = arith.muli %arg1, %mul3A_1 : i32
    %mul3A_3 = arith.constant 640 : i32
    %mul3A_4 = arith.muli %arg1, %mul3A_3 : i32
    "tpu.region"() ({
      %run_scoped3A = tpu.sem_alloc : memref<!tpu.dma_semaphore, #tpu.memory_space<semaphore_mem>>
      %dma_start3A_238 = arith.constant 0 : i32
      %dma_start3A_239 = tpu.memref_slice %arg7[%mul3A_4, %dma_start3A_238] : memref<10240x128xf32, #tpu.memory_space<vmem_shared>> -> memref<640x128xf32, #tpu.memory_space<vmem_shared>>
      %dma_start3A_240 = arith.constant 0 : i32
      %dma_start3A_241 = tpu.memref_slice %arg2[%mul3A_2, %dma_start3A_240] : memref<10240x128xf32, #tpu.memory_space<hbm>> -> memref<640x128xf32, #tpu.memory_space<hbm>>
      tpu.enqueue_dma source(%dma_start3A_241 : memref<640x128xf32, #tpu.memory_space<hbm>>) target(%dma_start3A_239 : memref<640x128xf32, #tpu.memory_space<vmem_shared>>) target_semaphore(%run_scoped3A : memref<!tpu.dma_semaphore, #tpu.memory_space<semaphore_mem>>)
      %dma_wait3A_242 = arith.constant 0 : i32
      %dma_wait3A_243 = tpu.memref_slice %arg7[%mul3A_4, %dma_wait3A_242] : memref<10240x128xf32, #tpu.memory_space<vmem_shared>> -> memref<640x128xf32, #tpu.memory_space<vmem_shared>>
      %dma_wait3A_244 = arith.constant 0 : i32
      %dma_wait3A_245 = tpu.memref_slice %arg2[%mul3A_2, %dma_wait3A_244] : memref<10240x128xf32, #tpu.memory_space<hbm>> -> memref<640x128xf32, #tpu.memory_space<hbm>>
      tpu.wait_dma2 semaphore(%run_scoped3A : memref<!tpu.dma_semaphore, #tpu.memory_space<semaphore_mem>>) src(%dma_wait3A_245 : memref<640x128xf32, #tpu.memory_space<hbm>>) dst(%dma_wait3A_243 : memref<640x128xf32, #tpu.memory_space<vmem_shared>>)
      tpu.yield
    }) : () -> ()
    %barrier3A = arith.constant 0 : index
    tpu.barrier barrier_id(%barrier3A)
    %rem3A = arith.constant 0 : i32
    %rem3A_5 = arith.constant 8 : i32
    %rem3A_6 = arith.remsi %rem3A, %rem3A_5 : i32
    %dma_start3A = arith.constant 0 : i32
    %dma_start3A_7 = arith.constant 0 : i32
    %dma_start3A_8 = arith.constant 0 : i32
    %dma_start3A_9 = arith.constant 0 : i32
    %dma_start3A_10 = tpu.memref_slice %arg5[%rem3A_6, %dma_start3A_8, %dma_start3A_9] : memref<8x2x80xi32, #tpu.memory_space<vmem>> -> memref<1x1x80xi32, #tpu.memory_space<vmem>>
    %dma_start3A_11 = tpu.memref_squeeze %dma_start3A_10 : memref<1x1x80xi32, #tpu.memory_space<vmem>> -> memref<80xi32, #tpu.memory_space<vmem>>
    %dma_start3A_12 = arith.constant 0 : i32
    %dma_start3A_13 = tpu.memref_slice %arg3[%dma_start3A, %add3A, %dma_start3A_7, %dma_start3A_12] : memref<2x32x125x80xi32, #tpu.memory_space<hbm>> -> memref<1x1x1x80xi32, #tpu.memory_space<hbm>>
    %dma_start3A_14 = tpu.memref_squeeze %dma_start3A_13 : memref<1x1x1x80xi32, #tpu.memory_space<hbm>> -> memref<80xi32, #tpu.memory_space<hbm>>
    %dma_start3A_15 = arith.constant 0 : i32
    %dma_start3A_16 = tpu.memref_slice %arg5[%rem3A_6, %dma_start3A_8, %dma_start3A_15] : memref<8x2x80xi32, #tpu.memory_space<vmem>> -> memref<1x1x80xi32, #tpu.memory_space<vmem>>
    %dma_start3A_17 = tpu.memref_squeeze %dma_start3A_16 : memref<1x1x80xi32, #tpu.memory_space<vmem>> -> memref<80xi32, #tpu.memory_space<vmem>>
    %dma_start3A_18 = arith.constant 0 : i32
    %dma_start3A_19 = tpu.memref_slice %arg3[%dma_start3A, %add3A, %dma_start3A_7, %dma_start3A_18] : memref<2x32x125x80xi32, #tpu.memory_space<hbm>> -> memref<1x1x1x80xi32, #tpu.memory_space<hbm>>
    %dma_start3A_20 = tpu.memref_squeeze %dma_start3A_19 : memref<1x1x1x80xi32, #tpu.memory_space<hbm>> -> memref<80xi32, #tpu.memory_space<hbm>>
    tpu.enqueue_dma source(%dma_start3A_20 : memref<80xi32, #tpu.memory_space<hbm>>) target(%dma_start3A_17 : memref<80xi32, #tpu.memory_space<vmem>>) target_semaphore(%arg8 : memref<!tpu.dma_semaphore, #tpu.memory_space<semaphore_mem>>)
    %dma_start3A_21 = arith.constant 1 : i32
    %dma_start3A_22 = arith.constant 0 : i32
    %dma_start3A_23 = arith.constant 1 : i32
    %dma_start3A_24 = arith.constant 0 : i32
    %dma_start3A_25 = tpu.memref_slice %arg5[%rem3A_6, %dma_start3A_23, %dma_start3A_24] : memref<8x2x80xi32, #tpu.memory_space<vmem>> -> memref<1x1x80xi32, #tpu.memory_space<vmem>>
    %dma_start3A_26 = tpu.memref_squeeze %dma_start3A_25 : memref<1x1x80xi32, #tpu.memory_space<vmem>> -> memref<80xi32, #tpu.memory_space<vmem>>
    %dma_start3A_27 = arith.constant 0 : i32
    %dma_start3A_28 = tpu.memref_slice %arg3[%dma_start3A_21, %add3A, %dma_start3A_22, %dma_start3A_27] : memref<2x32x125x80xi32, #tpu.memory_space<hbm>> -> memref<1x1x1x80xi32, #tpu.memory_space<hbm>>
    %dma_start3A_29 = tpu.memref_squeeze %dma_start3A_28 : memref<1x1x1x80xi32, #tpu.memory_space<hbm>> -> memref<80xi32, #tpu.memory_space<hbm>>
    %dma_start3A_30 = arith.constant 0 : i32
    %dma_start3A_31 = tpu.memref_slice %arg5[%rem3A_6, %dma_start3A_23, %dma_start3A_30] : memref<8x2x80xi32, #tpu.memory_space<vmem>> -> memref<1x1x80xi32, #tpu.memory_space<vmem>>
    %dma_start3A_32 = tpu.memref_squeeze %dma_start3A_31 : memref<1x1x80xi32, #tpu.memory_space<vmem>> -> memref<80xi32, #tpu.memory_space<vmem>>
    %dma_start3A_33 = arith.constant 0 : i32
    %dma_start3A_34 = tpu.memref_slice %arg3[%dma_start3A_21, %add3A, %dma_start3A_22, %dma_start3A_33] : memref<2x32x125x80xi32, #tpu.memory_space<hbm>> -> memref<1x1x1x80xi32, #tpu.memory_space<hbm>>
    %dma_start3A_35 = tpu.memref_squeeze %dma_start3A_34 : memref<1x1x1x80xi32, #tpu.memory_space<hbm>> -> memref<80xi32, #tpu.memory_space<hbm>>
    tpu.enqueue_dma source(%dma_start3A_35 : memref<80xi32, #tpu.memory_space<hbm>>) target(%dma_start3A_32 : memref<80xi32, #tpu.memory_space<vmem>>) target_semaphore(%arg8 : memref<!tpu.dma_semaphore, #tpu.memory_space<semaphore_mem>>)
    %rem3A_36 = arith.constant 1 : i32
    %rem3A_37 = arith.constant 8 : i32
    %rem3A_38 = arith.remsi %rem3A_36, %rem3A_37 : i32
    %dma_start3A_39 = arith.constant 0 : i32
    %dma_start3A_40 = arith.constant 1 : i32
    %dma_start3A_41 = arith.constant 0 : i32
    %dma_start3A_42 = arith.constant 0 : i32
    %dma_start3A_43 = tpu.memref_slice %arg5[%rem3A_38, %dma_start3A_41, %dma_start3A_42] : memref<8x2x80xi32, #tpu.memory_space<vmem>> -> memref<1x1x80xi32, #tpu.memory_space<vmem>>
    %dma_start3A_44 = tpu.memref_squeeze %dma_start3A_43 : memref<1x1x80xi32, #tpu.memory_space<vmem>> -> memref<80xi32, #tpu.memory_space<vmem>>
    %dma_start3A_45 = arith.constant 0 : i32
    %dma_start3A_46 = tpu.memref_slice %arg3[%dma_start3A_39, %add3A, %dma_start3A_40, %dma_start3A_45] : memref<2x32x125x80xi32, #tpu.memory_space<hbm>> -> memref<1x1x1x80xi32, #tpu.memory_space<hbm>>
    %dma_start3A_47 = tpu.memref_squeeze %dma_start3A_46 : memref<1x1x1x80xi32, #tpu.memory_space<hbm>> -> memref<80xi32, #tpu.memory_space<hbm>>
    %dma_start3A_48 = arith.constant 0 : i32
    %dma_start3A_49 = tpu.memref_slice %arg5[%rem3A_38, %dma_start3A_41, %dma_start3A_48] : memref<8x2x80xi32, #tpu.memory_space<vmem>> -> memref<1x1x80xi32, #tpu.memory_space<vmem>>
    %dma_start3A_50 = tpu.memref_squeeze %dma_start3A_49 : memref<1x1x80xi32, #tpu.memory_space<vmem>> -> memref<80xi32, #tpu.memory_space<vmem>>
    %dma_start3A_51 = arith.constant 0 : i32
    %dma_start3A_52 = tpu.memref_slice %arg3[%dma_start3A_39, %add3A, %dma_start3A_40, %dma_start3A_51] : memref<2x32x125x80xi32, #tpu.memory_space<hbm>> -> memref<1x1x1x80xi32, #tpu.memory_space<hbm>>
    %dma_start3A_53 = tpu.memref_squeeze %dma_start3A_52 : memref<1x1x1x80xi32, #tpu.memory_space<hbm>> -> memref<80xi32, #tpu.memory_space<hbm>>
    tpu.enqueue_dma source(%dma_start3A_53 : memref<80xi32, #tpu.memory_space<hbm>>) target(%dma_start3A_50 : memref<80xi32, #tpu.memory_space<vmem>>) target_semaphore(%arg8 : memref<!tpu.dma_semaphore, #tpu.memory_space<semaphore_mem>>)
    %dma_start3A_54 = arith.constant 1 : i32
    %dma_start3A_55 = arith.constant 1 : i32
    %dma_start3A_56 = arith.constant 1 : i32
    %dma_start3A_57 = arith.constant 0 : i32
    %dma_start3A_58 = tpu.memref_slice %arg5[%rem3A_38, %dma_start3A_56, %dma_start3A_57] : memref<8x2x80xi32, #tpu.memory_space<vmem>> -> memref<1x1x80xi32, #tpu.memory_space<vmem>>
    %dma_start3A_59 = tpu.memref_squeeze %dma_start3A_58 : memref<1x1x80xi32, #tpu.memory_space<vmem>> -> memref<80xi32, #tpu.memory_space<vmem>>
    %dma_start3A_60 = arith.constant 0 : i32
    %dma_start3A_61 = tpu.memref_slice %arg3[%dma_start3A_54, %add3A, %dma_start3A_55, %dma_start3A_60] : memref<2x32x125x80xi32, #tpu.memory_space<hbm>> -> memref<1x1x1x80xi32, #tpu.memory_space<hbm>>
    %dma_start3A_62 = tpu.memref_squeeze %dma_start3A_61 : memref<1x1x1x80xi32, #tpu.memory_space<hbm>> -> memref<80xi32, #tpu.memory_space<hbm>>
    %dma_start3A_63 = arith.constant 0 : i32
    %dma_start3A_64 = tpu.memref_slice %arg5[%rem3A_38, %dma_start3A_56, %dma_start3A_63] : memref<8x2x80xi32, #tpu.memory_space<vmem>> -> memref<1x1x80xi32, #tpu.memory_space<vmem>>
    %dma_start3A_65 = tpu.memref_squeeze %dma_start3A_64 : memref<1x1x80xi32, #tpu.memory_space<vmem>> -> memref<80xi32, #tpu.memory_space<vmem>>
    %dma_start3A_66 = arith.constant 0 : i32
    %dma_start3A_67 = tpu.memref_slice %arg3[%dma_start3A_54, %add3A, %dma_start3A_55, %dma_start3A_66] : memref<2x32x125x80xi32, #tpu.memory_space<hbm>> -> memref<1x1x1x80xi32, #tpu.memory_space<hbm>>
    %dma_start3A_68 = tpu.memref_squeeze %dma_start3A_67 : memref<1x1x1x80xi32, #tpu.memory_space<hbm>> -> memref<80xi32, #tpu.memory_space<hbm>>
    tpu.enqueue_dma source(%dma_start3A_68 : memref<80xi32, #tpu.memory_space<hbm>>) target(%dma_start3A_65 : memref<80xi32, #tpu.memory_space<vmem>>) target_semaphore(%arg8 : memref<!tpu.dma_semaphore, #tpu.memory_space<semaphore_mem>>)
    %rem3A_69 = arith.constant 2 : i32
    %rem3A_70 = arith.constant 8 : i32
    %rem3A_71 = arith.remsi %rem3A_69, %rem3A_70 : i32
    %dma_start3A_72 = arith.constant 0 : i32
    %dma_start3A_73 = arith.constant 2 : i32
    %dma_start3A_74 = arith.constant 0 : i32
    %dma_start3A_75 = arith.constant 0 : i32
    %dma_start3A_76 = tpu.memref_slice %arg5[%rem3A_71, %dma_start3A_74, %dma_start3A_75] : memref<8x2x80xi32, #tpu.memory_space<vmem>> -> memref<1x1x80xi32, #tpu.memory_space<vmem>>
    %dma_start3A_77 = tpu.memref_squeeze %dma_start3A_76 : memref<1x1x80xi32, #tpu.memory_space<vmem>> -> memref<80xi32, #tpu.memory_space<vmem>>
    %dma_start3A_78 = arith.constant 0 : i32
    %dma_start3A_79 = tpu.memref_slice %arg3[%dma_start3A_72, %add3A, %dma_start3A_73, %dma_start3A_78] : memref<2x32x125x80xi32, #tpu.memory_space<hbm>> -> memref<1x1x1x80xi32, #tpu.memory_space<hbm>>
    %dma_start3A_80 = tpu.memref_squeeze %dma_start3A_79 : memref<1x1x1x80xi32, #tpu.memory_space<hbm>> -> memref<80xi32, #tpu.memory_space<hbm>>
    %dma_start3A_81 = arith.constant 0 : i32
    %dma_start3A_82 = tpu.memref_slice %arg5[%rem3A_71, %dma_start3A_74, %dma_start3A_81] : memref<8x2x80xi32, #tpu.memory_space<vmem>> -> memref<1x1x80xi32, #tpu.memory_space<vmem>>
    %dma_start3A_83 = tpu.memref_squeeze %dma_start3A_82 : memref<1x1x80xi32, #tpu.memory_space<vmem>> -> memref<80xi32, #tpu.memory_space<vmem>>
    %dma_start3A_84 = arith.constant 0 : i32
    %dma_start3A_85 = tpu.memref_slice %arg3[%dma_start3A_72, %add3A, %dma_start3A_73, %dma_start3A_84] : memref<2x32x125x80xi32, #tpu.memory_space<hbm>> -> memref<1x1x1x80xi32, #tpu.memory_space<hbm>>
    %dma_start3A_86 = tpu.memref_squeeze %dma_start3A_85 : memref<1x1x1x80xi32, #tpu.memory_space<hbm>> -> memref<80xi32, #tpu.memory_space<hbm>>
    tpu.enqueue_dma source(%dma_start3A_86 : memref<80xi32, #tpu.memory_space<hbm>>) target(%dma_start3A_83 : memref<80xi32, #tpu.memory_space<vmem>>) target_semaphore(%arg8 : memref<!tpu.dma_semaphore, #tpu.memory_space<semaphore_mem>>)
    %dma_start3A_87 = arith.constant 1 : i32
    %dma_start3A_88 = arith.constant 2 : i32
    %dma_start3A_89 = arith.constant 1 : i32
    %dma_start3A_90 = arith.constant 0 : i32
    %dma_start3A_91 = tpu.memref_slice %arg5[%rem3A_71, %dma_start3A_89, %dma_start3A_90] : memref<8x2x80xi32, #tpu.memory_space<vmem>> -> memref<1x1x80xi32, #tpu.memory_space<vmem>>
    %dma_start3A_92 = tpu.memref_squeeze %dma_start3A_91 : memref<1x1x80xi32, #tpu.memory_space<vmem>> -> memref<80xi32, #tpu.memory_space<vmem>>
    %dma_start3A_93 = arith.constant 0 : i32
    %dma_start3A_94 = tpu.memref_slice %arg3[%dma_start3A_87, %add3A, %dma_start3A_88, %dma_start3A_93] : memref<2x32x125x80xi32, #tpu.memory_space<hbm>> -> memref<1x1x1x80xi32, #tpu.memory_space<hbm>>
    %dma_start3A_95 = tpu.memref_squeeze %dma_start3A_94 : memref<1x1x1x80xi32, #tpu.memory_space<hbm>> -> memref<80xi32, #tpu.memory_space<hbm>>
    %dma_start3A_96 = arith.constant 0 : i32
    %dma_start3A_97 = tpu.memref_slice %arg5[%rem3A_71, %dma_start3A_89, %dma_start3A_96] : memref<8x2x80xi32, #tpu.memory_space<vmem>> -> memref<1x1x80xi32, #tpu.memory_space<vmem>>
    %dma_start3A_98 = tpu.memref_squeeze %dma_start3A_97 : memref<1x1x80xi32, #tpu.memory_space<vmem>> -> memref<80xi32, #tpu.memory_space<vmem>>
    %dma_start3A_99 = arith.constant 0 : i32
    %dma_start3A_100 = tpu.memref_slice %arg3[%dma_start3A_87, %add3A, %dma_start3A_88, %dma_start3A_99] : memref<2x32x125x80xi32, #tpu.memory_space<hbm>> -> memref<1x1x1x80xi32, #tpu.memory_space<hbm>>
    %dma_start3A_101 = tpu.memref_squeeze %dma_start3A_100 : memref<1x1x1x80xi32, #tpu.memory_space<hbm>> -> memref<80xi32, #tpu.memory_space<hbm>>
    tpu.enqueue_dma source(%dma_start3A_101 : memref<80xi32, #tpu.memory_space<hbm>>) target(%dma_start3A_98 : memref<80xi32, #tpu.memory_space<vmem>>) target_semaphore(%arg8 : memref<!tpu.dma_semaphore, #tpu.memory_space<semaphore_mem>>)
    %rem3A_102 = arith.constant 3 : i32
    %rem3A_103 = arith.constant 8 : i32
    %rem3A_104 = arith.remsi %rem3A_102, %rem3A_103 : i32
    %dma_start3A_105 = arith.constant 0 : i32
    %dma_start3A_106 = arith.constant 3 : i32
    %dma_start3A_107 = arith.constant 0 : i32
    %dma_start3A_108 = arith.constant 0 : i32
    %dma_start3A_109 = tpu.memref_slice %arg5[%rem3A_104, %dma_start3A_107, %dma_start3A_108] : memref<8x2x80xi32, #tpu.memory_space<vmem>> -> memref<1x1x80xi32, #tpu.memory_space<vmem>>
    %dma_start3A_110 = tpu.memref_squeeze %dma_start3A_109 : memref<1x1x80xi32, #tpu.memory_space<vmem>> -> memref<80xi32, #tpu.memory_space<vmem>>
    %dma_start3A_111 = arith.constant 0 : i32
    %dma_start3A_112 = tpu.memref_slice %arg3[%dma_start3A_105, %add3A, %dma_start3A_106, %dma_start3A_111] : memref<2x32x125x80xi32, #tpu.memory_space<hbm>> -> memref<1x1x1x80xi32, #tpu.memory_space<hbm>>
    %dma_start3A_113 = tpu.memref_squeeze %dma_start3A_112 : memref<1x1x1x80xi32, #tpu.memory_space<hbm>> -> memref<80xi32, #tpu.memory_space<hbm>>
    %dma_start3A_114 = arith.constant 0 : i32
    %dma_start3A_115 = tpu.memref_slice %arg5[%rem3A_104, %dma_start3A_107, %dma_start3A_114] : memref<8x2x80xi32, #tpu.memory_space<vmem>> -> memref<1x1x80xi32, #tpu.memory_space<vmem>>
    %dma_start3A_116 = tpu.memref_squeeze %dma_start3A_115 : memref<1x1x80xi32, #tpu.memory_space<vmem>> -> memref<80xi32, #tpu.memory_space<vmem>>
    %dma_start3A_117 = arith.constant 0 : i32
    %dma_start3A_118 = tpu.memref_slice %arg3[%dma_start3A_105, %add3A, %dma_start3A_106, %dma_start3A_117] : memref<2x32x125x80xi32, #tpu.memory_space<hbm>> -> memref<1x1x1x80xi32, #tpu.memory_space<hbm>>
    %dma_start3A_119 = tpu.memref_squeeze %dma_start3A_118 : memref<1x1x1x80xi32, #tpu.memory_space<hbm>> -> memref<80xi32, #tpu.memory_space<hbm>>
    tpu.enqueue_dma source(%dma_start3A_119 : memref<80xi32, #tpu.memory_space<hbm>>) target(%dma_start3A_116 : memref<80xi32, #tpu.memory_space<vmem>>) target_semaphore(%arg8 : memref<!tpu.dma_semaphore, #tpu.memory_space<semaphore_mem>>)
    %dma_start3A_120 = arith.constant 1 : i32
    %dma_start3A_121 = arith.constant 3 : i32
    %dma_start3A_122 = arith.constant 1 : i32
    %dma_start3A_123 = arith.constant 0 : i32
    %dma_start3A_124 = tpu.memref_slice %arg5[%rem3A_104, %dma_start3A_122, %dma_start3A_123] : memref<8x2x80xi32, #tpu.memory_space<vmem>> -> memref<1x1x80xi32, #tpu.memory_space<vmem>>
    %dma_start3A_125 = tpu.memref_squeeze %dma_start3A_124 : memref<1x1x80xi32, #tpu.memory_space<vmem>> -> memref<80xi32, #tpu.memory_space<vmem>>
    %dma_start3A_126 = arith.constant 0 : i32
    %dma_start3A_127 = tpu.memref_slice %arg3[%dma_start3A_120, %add3A, %dma_start3A_121, %dma_start3A_126] : memref<2x32x125x80xi32, #tpu.memory_space<hbm>> -> memref<1x1x1x80xi32, #tpu.memory_space<hbm>>
    %dma_start3A_128 = tpu.memref_squeeze %dma_start3A_127 : memref<1x1x1x80xi32, #tpu.memory_space<hbm>> -> memref<80xi32, #tpu.memory_space<hbm>>
    %dma_start3A_129 = arith.constant 0 : i32
    %dma_start3A_130 = tpu.memref_slice %arg5[%rem3A_104, %dma_start3A_122, %dma_start3A_129] : memref<8x2x80xi32, #tpu.memory_space<vmem>> -> memref<1x1x80xi32, #tpu.memory_space<vmem>>
    %dma_start3A_131 = tpu.memref_squeeze %dma_start3A_130 : memref<1x1x80xi32, #tpu.memory_space<vmem>> -> memref<80xi32, #tpu.memory_space<vmem>>
    %dma_start3A_132 = arith.constant 0 : i32
    %dma_start3A_133 = tpu.memref_slice %arg3[%dma_start3A_120, %add3A, %dma_start3A_121, %dma_start3A_132] : memref<2x32x125x80xi32, #tpu.memory_space<hbm>> -> memref<1x1x1x80xi32, #tpu.memory_space<hbm>>
    %dma_start3A_134 = tpu.memref_squeeze %dma_start3A_133 : memref<1x1x1x80xi32, #tpu.memory_space<hbm>> -> memref<80xi32, #tpu.memory_space<hbm>>
    tpu.enqueue_dma source(%dma_start3A_134 : memref<80xi32, #tpu.memory_space<hbm>>) target(%dma_start3A_131 : memref<80xi32, #tpu.memory_space<vmem>>) target_semaphore(%arg8 : memref<!tpu.dma_semaphore, #tpu.memory_space<semaphore_mem>>)
    %rem3A_135 = arith.constant 0 : i32
    %rem3A_136 = arith.constant 8 : i32
    %rem3A_137 = arith.remsi %rem3A_135, %rem3A_136 : i32
    %dma_wait3A = arith.constant 0 : i32
    %dma_wait3A_138 = arith.constant 0 : i32
    %dma_wait3A_139 = arith.constant 0 : i32
    %dma_wait3A_140 = arith.constant 0 : i32
    %dma_wait3A_141 = tpu.memref_slice %arg5[%rem3A_137, %dma_wait3A_139, %dma_wait3A_140] : memref<8x2x80xi32, #tpu.memory_space<vmem>> -> memref<1x1x80xi32, #tpu.memory_space<vmem>>
    %dma_wait3A_142 = tpu.memref_squeeze %dma_wait3A_141 : memref<1x1x80xi32, #tpu.memory_space<vmem>> -> memref<80xi32, #tpu.memory_space<vmem>>
    %dma_wait3A_143 = arith.constant 0 : i32
    %dma_wait3A_144 = tpu.memref_slice %arg3[%dma_wait3A, %add3A, %dma_wait3A_138, %dma_wait3A_143] : memref<2x32x125x80xi32, #tpu.memory_space<hbm>> -> memref<1x1x1x80xi32, #tpu.memory_space<hbm>>
    %dma_wait3A_145 = tpu.memref_squeeze %dma_wait3A_144 : memref<1x1x1x80xi32, #tpu.memory_space<hbm>> -> memref<80xi32, #tpu.memory_space<hbm>>
    %dma_wait3A_146 = arith.constant 0 : i32
    %dma_wait3A_147 = tpu.memref_slice %arg5[%rem3A_137, %dma_wait3A_139, %dma_wait3A_146] : memref<8x2x80xi32, #tpu.memory_space<vmem>> -> memref<1x1x80xi32, #tpu.memory_space<vmem>>
    %dma_wait3A_148 = tpu.memref_squeeze %dma_wait3A_147 : memref<1x1x80xi32, #tpu.memory_space<vmem>> -> memref<80xi32, #tpu.memory_space<vmem>>
    %dma_wait3A_149 = arith.constant 0 : i32
    %dma_wait3A_150 = tpu.memref_slice %arg3[%dma_wait3A, %add3A, %dma_wait3A_138, %dma_wait3A_149] : memref<2x32x125x80xi32, #tpu.memory_space<hbm>> -> memref<1x1x1x80xi32, #tpu.memory_space<hbm>>
    %dma_wait3A_151 = tpu.memref_squeeze %dma_wait3A_150 : memref<1x1x1x80xi32, #tpu.memory_space<hbm>> -> memref<80xi32, #tpu.memory_space<hbm>>
    tpu.wait_dma2 semaphore(%arg8 : memref<!tpu.dma_semaphore, #tpu.memory_space<semaphore_mem>>) src(%dma_wait3A_151 : memref<80xi32, #tpu.memory_space<hbm>>) dst(%dma_wait3A_148 : memref<80xi32, #tpu.memory_space<vmem>>)
    %dma_wait3A_152 = arith.constant 1 : i32
    %dma_wait3A_153 = arith.constant 0 : i32
    %dma_wait3A_154 = arith.constant 1 : i32
    %dma_wait3A_155 = arith.constant 0 : i32
    %dma_wait3A_156 = tpu.memref_slice %arg5[%rem3A_137, %dma_wait3A_154, %dma_wait3A_155] : memref<8x2x80xi32, #tpu.memory_space<vmem>> -> memref<1x1x80xi32, #tpu.memory_space<vmem>>
    %dma_wait3A_157 = tpu.memref_squeeze %dma_wait3A_156 : memref<1x1x80xi32, #tpu.memory_space<vmem>> -> memref<80xi32, #tpu.memory_space<vmem>>
    %dma_wait3A_158 = arith.constant 0 : i32
    %dma_wait3A_159 = tpu.memref_slice %arg3[%dma_wait3A_152, %add3A, %dma_wait3A_153, %dma_wait3A_158] : memref<2x32x125x80xi32, #tpu.memory_space<hbm>> -> memref<1x1x1x80xi32, #tpu.memory_space<hbm>>
    %dma_wait3A_160 = tpu.memref_squeeze %dma_wait3A_159 : memref<1x1x1x80xi32, #tpu.memory_space<hbm>> -> memref<80xi32, #tpu.memory_space<hbm>>
    %dma_wait3A_161 = arith.constant 0 : i32
    %dma_wait3A_162 = tpu.memref_slice %arg5[%rem3A_137, %dma_wait3A_154, %dma_wait3A_161] : memref<8x2x80xi32, #tpu.memory_space<vmem>> -> memref<1x1x80xi32, #tpu.memory_space<vmem>>
    %dma_wait3A_163 = tpu.memref_squeeze %dma_wait3A_162 : memref<1x1x80xi32, #tpu.memory_space<vmem>> -> memref<80xi32, #tpu.memory_space<vmem>>
    %dma_wait3A_164 = arith.constant 0 : i32
    %dma_wait3A_165 = tpu.memref_slice %arg3[%dma_wait3A_152, %add3A, %dma_wait3A_153, %dma_wait3A_164] : memref<2x32x125x80xi32, #tpu.memory_space<hbm>> -> memref<1x1x1x80xi32, #tpu.memory_space<hbm>>
    %dma_wait3A_166 = tpu.memref_squeeze %dma_wait3A_165 : memref<1x1x1x80xi32, #tpu.memory_space<hbm>> -> memref<80xi32, #tpu.memory_space<hbm>>
    tpu.wait_dma2 semaphore(%arg8 : memref<!tpu.dma_semaphore, #tpu.memory_space<semaphore_mem>>) src(%dma_wait3A_166 : memref<80xi32, #tpu.memory_space<hbm>>) dst(%dma_wait3A_163 : memref<80xi32, #tpu.memory_space<vmem>>)
    %rem3A_167 = arith.constant 0 : i32
    %rem3A_168 = arith.constant 4 : i32
    %rem3A_169 = arith.remsi %rem3A_167, %rem3A_168 : i32
    %mul3A_170 = arith.constant 80 : i32
    %mul3A_171 = arith.muli %rem3A_169, %mul3A_170 : i32
    %dma_start3A_172 = arith.constant 0 : i32
    %dma_start3A_173 = arith.constant 0 : i32
    %dma_start3A_174 = tpu.memref_slice %arg6[%mul3A_171, %dma_start3A_173] : memref<320x128xf32, #tpu.memory_space<vmem>> -> memref<80x128xf32, #tpu.memory_space<vmem>>
    %dma_start3A_175 = arith.constant 0 : i32
    %dma_start3A_176 = tpu.memref_slice %arg5[%rem3A_137, %dma_start3A_172, %dma_start3A_175] : memref<8x2x80xi32, #tpu.memory_space<vmem>> -> memref<1x1x80xi32, #tpu.memory_space<vmem>>
    %dma_start3A_177 = tpu.memref_squeeze %dma_start3A_176 : memref<1x1x80xi32, #tpu.memory_space<vmem>> -> memref<80xi32, #tpu.memory_space<vmem>>
    %dma_start3A_178 = arith.constant 0 : i32
    %dma_start3A_179 = arith.constant 0 : i32
    %dma_start3A_180 = tpu.memref_slice %arg2[%dma_start3A_178, %dma_start3A_179] : memref<10240x128xf32, #tpu.memory_space<hbm>> -> memref<10240x128xf32, #tpu.memory_space<hbm>>
    tpu.enqueue_indirect_dma source(%dma_start3A_180 : memref<10240x128xf32, #tpu.memory_space<hbm>>) target(%dma_start3A_174 : memref<80x128xf32, #tpu.memory_space<vmem>>) offsets(%dma_start3A_177 : memref<80xi32, #tpu.memory_space<vmem>>) semaphore(%arg9 : memref<!tpu.dma_semaphore, #tpu.memory_space<semaphore_mem>>)
    %rem3A_181 = arith.constant 1 : i32
    %rem3A_182 = arith.constant 8 : i32
    %rem3A_183 = arith.remsi %rem3A_181, %rem3A_182 : i32
    %dma_wait3A_184 = arith.constant 0 : i32
    %dma_wait3A_185 = arith.constant 1 : i32
    %dma_wait3A_186 = arith.constant 0 : i32
    %dma_wait3A_187 = arith.constant 0 : i32
    %dma_wait3A_188 = tpu.memref_slice %arg5[%rem3A_183, %dma_wait3A_186, %dma_wait3A_187] : memref<8x2x80xi32, #tpu.memory_space<vmem>> -> memref<1x1x80xi32, #tpu.memory_space<vmem>>
    %dma_wait3A_189 = tpu.memref_squeeze %dma_wait3A_188 : memref<1x1x80xi32, #tpu.memory_space<vmem>> -> memref<80xi32, #tpu.memory_space<vmem>>
    %dma_wait3A_190 = arith.constant 0 : i32
    %dma_wait3A_191 = tpu.memref_slice %arg3[%dma_wait3A_184, %add3A, %dma_wait3A_185, %dma_wait3A_190] : memref<2x32x125x80xi32, #tpu.memory_space<hbm>> -> memref<1x1x1x80xi32, #tpu.memory_space<hbm>>
    %dma_wait3A_192 = tpu.memref_squeeze %dma_wait3A_191 : memref<1x1x1x80xi32, #tpu.memory_space<hbm>> -> memref<80xi32, #tpu.memory_space<hbm>>
    %dma_wait3A_193 = arith.constant 0 : i32
    %dma_wait3A_194 = tpu.memref_slice %arg5[%rem3A_183, %dma_wait3A_186, %dma_wait3A_193] : memref<8x2x80xi32, #tpu.memory_space<vmem>> -> memref<1x1x80xi32, #tpu.memory_space<vmem>>
    %dma_wait3A_195 = tpu.memref_squeeze %dma_wait3A_194 : memref<1x1x80xi32, #tpu.memory_space<vmem>> -> memref<80xi32, #tpu.memory_space<vmem>>
    %dma_wait3A_196 = arith.constant 0 : i32
    %dma_wait3A_197 = tpu.memref_slice %arg3[%dma_wait3A_184, %add3A, %dma_wait3A_185, %dma_wait3A_196] : memref<2x32x125x80xi32, #tpu.memory_space<hbm>> -> memref<1x1x1x80xi32, #tpu.memory_space<hbm>>
    %dma_wait3A_198 = tpu.memref_squeeze %dma_wait3A_197 : memref<1x1x1x80xi32, #tpu.memory_space<hbm>> -> memref<80xi32, #tpu.memory_space<hbm>>
    tpu.wait_dma2 semaphore(%arg8 : memref<!tpu.dma_semaphore, #tpu.memory_space<semaphore_mem>>) src(%dma_wait3A_198 : memref<80xi32, #tpu.memory_space<hbm>>) dst(%dma_wait3A_195 : memref<80xi32, #tpu.memory_space<vmem>>)
    %dma_wait3A_199 = arith.constant 1 : i32
    %dma_wait3A_200 = arith.constant 1 : i32
    %dma_wait3A_201 = arith.constant 1 : i32
    %dma_wait3A_202 = arith.constant 0 : i32
    %dma_wait3A_203 = tpu.memref_slice %arg5[%rem3A_183, %dma_wait3A_201, %dma_wait3A_202] : memref<8x2x80xi32, #tpu.memory_space<vmem>> -> memref<1x1x80xi32, #tpu.memory_space<vmem>>
    %dma_wait3A_204 = tpu.memref_squeeze %dma_wait3A_203 : memref<1x1x80xi32, #tpu.memory_space<vmem>> -> memref<80xi32, #tpu.memory_space<vmem>>
    %dma_wait3A_205 = arith.constant 0 : i32
    %dma_wait3A_206 = tpu.memref_slice %arg3[%dma_wait3A_199, %add3A, %dma_wait3A_200, %dma_wait3A_205] : memref<2x32x125x80xi32, #tpu.memory_space<hbm>> -> memref<1x1x1x80xi32, #tpu.memory_space<hbm>>
    %dma_wait3A_207 = tpu.memref_squeeze %dma_wait3A_206 : memref<1x1x1x80xi32, #tpu.memory_space<hbm>> -> memref<80xi32, #tpu.memory_space<hbm>>
    %dma_wait3A_208 = arith.constant 0 : i32
    %dma_wait3A_209 = tpu.memref_slice %arg5[%rem3A_183, %dma_wait3A_201, %dma_wait3A_208] : memref<8x2x80xi32, #tpu.memory_space<vmem>> -> memref<1x1x80xi32, #tpu.memory_space<vmem>>
    %dma_wait3A_210 = tpu.memref_squeeze %dma_wait3A_209 : memref<1x1x80xi32, #tpu.memory_space<vmem>> -> memref<80xi32, #tpu.memory_space<vmem>>
    %dma_wait3A_211 = arith.constant 0 : i32
    %dma_wait3A_212 = tpu.memref_slice %arg3[%dma_wait3A_199, %add3A, %dma_wait3A_200, %dma_wait3A_211] : memref<2x32x125x80xi32, #tpu.memory_space<hbm>> -> memref<1x1x1x80xi32, #tpu.memory_space<hbm>>
    %dma_wait3A_213 = tpu.memref_squeeze %dma_wait3A_212 : memref<1x1x1x80xi32, #tpu.memory_space<hbm>> -> memref<80xi32, #tpu.memory_space<hbm>>
    tpu.wait_dma2 semaphore(%arg8 : memref<!tpu.dma_semaphore, #tpu.memory_space<semaphore_mem>>) src(%dma_wait3A_213 : memref<80xi32, #tpu.memory_space<hbm>>) dst(%dma_wait3A_210 : memref<80xi32, #tpu.memory_space<vmem>>)
    %rem3A_214 = arith.constant 1 : i32
    %rem3A_215 = arith.constant 4 : i32
    %rem3A_216 = arith.remsi %rem3A_214, %rem3A_215 : i32
    %mul3A_217 = arith.constant 80 : i32
    %mul3A_218 = arith.muli %rem3A_216, %mul3A_217 : i32
    %dma_start3A_219 = arith.constant 0 : i32
    %dma_start3A_220 = arith.constant 0 : i32
    %dma_start3A_221 = tpu.memref_slice %arg6[%mul3A_218, %dma_start3A_220] : memref<320x128xf32, #tpu.memory_space<vmem>> -> memref<80x128xf32, #tpu.memory_space<vmem>>
    %dma_start3A_222 = arith.constant 0 : i32
    %dma_start3A_223 = tpu.memref_slice %arg5[%rem3A_183, %dma_start3A_219, %dma_start3A_222] : memref<8x2x80xi32, #tpu.memory_space<vmem>> -> memref<1x1x80xi32, #tpu.memory_space<vmem>>
    %dma_start3A_224 = tpu.memref_squeeze %dma_start3A_223 : memref<1x1x80xi32, #tpu.memory_space<vmem>> -> memref<80xi32, #tpu.memory_space<vmem>>
    %dma_start3A_225 = arith.constant 0 : i32
    %dma_start3A_226 = arith.constant 0 : i32
    %dma_start3A_227 = tpu.memref_slice %arg2[%dma_start3A_225, %dma_start3A_226] : memref<10240x128xf32, #tpu.memory_space<hbm>> -> memref<10240x128xf32, #tpu.memory_space<hbm>>
    tpu.enqueue_indirect_dma source(%dma_start3A_227 : memref<10240x128xf32, #tpu.memory_space<hbm>>) target(%dma_start3A_221 : memref<80x128xf32, #tpu.memory_space<vmem>>) offsets(%dma_start3A_224 : memref<80xi32, #tpu.memory_space<vmem>>) semaphore(%arg9 : memref<!tpu.dma_semaphore, #tpu.memory_space<semaphore_mem>>)
    %scan3A = arith.constant 0 : i32
    %scan3A_228 = arith.constant 0 : i32
    %scan3A_229 = arith.constant 127 : i32
    %scan3A_230 = arith.addi %scan3A_228, %scan3A_229 : i32
    %scan3A_231 = arith.constant 1 : i32
    scf.for %scan3A_238 = %scan3A_228 to %scan3A_230 step %scan3A_231  : i32 {
      %lt3A = arith.constant 125 : i32
      %lt3A_239 = arith.cmpi slt, %scan3A_238, %lt3A : i32
      %convert_element_type3A = arith.extui %lt3A_239 : i1 to i32
      %cond3A = arith.constant 0 : i32
      %cond3A_240 = arith.cmpi ne, %convert_element_type3A, %cond3A : i32
      scf.if %cond3A_240 {
        %rem3A_259 = arith.constant 8 : i32
        %rem3A_260 = arith.remsi %scan3A_238, %rem3A_259 : i32
        %rem3A_261 = arith.constant 4 : i32
        %rem3A_262 = arith.remsi %scan3A_238, %rem3A_261 : i32
        %mul3A_263 = arith.constant 80 : i32
        %mul3A_264 = arith.muli %rem3A_262, %mul3A_263 : i32
        %dma_wait3A_265 = arith.constant 0 : i32
        %dma_wait3A_266 = arith.constant 0 : i32
        %dma_wait3A_267 = tpu.memref_slice %arg6[%mul3A_264, %dma_wait3A_266] : memref<320x128xf32, #tpu.memory_space<vmem>> -> memref<80x128xf32, #tpu.memory_space<vmem>>
        %dma_wait3A_268 = arith.constant 0 : i32
        %dma_wait3A_269 = tpu.memref_slice %arg5[%rem3A_260, %dma_wait3A_265, %dma_wait3A_268] : memref<8x2x80xi32, #tpu.memory_space<vmem>> -> memref<1x1x80xi32, #tpu.memory_space<vmem>>
        %dma_wait3A_270 = tpu.memref_squeeze %dma_wait3A_269 : memref<1x1x80xi32, #tpu.memory_space<vmem>> -> memref<80xi32, #tpu.memory_space<vmem>>
        %dma_wait3A_271 = arith.constant 0 : i32
        %dma_wait3A_272 = arith.constant 0 : i32
        %dma_wait3A_273 = tpu.memref_slice %arg2[%dma_wait3A_271, %dma_wait3A_272] : memref<10240x128xf32, #tpu.memory_space<hbm>> -> memref<10240x128xf32, #tpu.memory_space<hbm>>
        tpu.wait_indirect_dma semaphore(%arg9 : memref<!tpu.dma_semaphore, #tpu.memory_space<semaphore_mem>>) src(%dma_wait3A_273 : memref<10240x128xf32, #tpu.memory_space<hbm>>) dst(%dma_wait3A_267 : memref<80x128xf32, #tpu.memory_space<vmem>>)
        %dma_start3A_274 = arith.constant 1 : i32
        %dma_start3A_275 = arith.constant 0 : i32
        %dma_start3A_276 = tpu.memref_slice %arg6[%mul3A_264, %dma_start3A_275] : memref<320x128xf32, #tpu.memory_space<vmem>> -> memref<80x128xf32, #tpu.memory_space<vmem>>
        %dma_start3A_277 = arith.constant 0 : i32
        %dma_start3A_278 = tpu.memref_slice %arg5[%rem3A_260, %dma_start3A_274, %dma_start3A_277] : memref<8x2x80xi32, #tpu.memory_space<vmem>> -> memref<1x1x80xi32, #tpu.memory_space<vmem>>
        %dma_start3A_279 = tpu.memref_squeeze %dma_start3A_278 : memref<1x1x80xi32, #tpu.memory_space<vmem>> -> memref<80xi32, #tpu.memory_space<vmem>>
        %dma_start3A_280 = arith.constant 0 : i32
        %dma_start3A_281 = arith.constant 0 : i32
        %dma_start3A_282 = tpu.memref_slice %arg7[%dma_start3A_280, %dma_start3A_281] : memref<10240x128xf32, #tpu.memory_space<vmem_shared>> -> memref<10240x128xf32, #tpu.memory_space<vmem_shared>>
        tpu.enqueue_indirect_dma source(%dma_start3A_276 : memref<80x128xf32, #tpu.memory_space<vmem>>) target(%dma_start3A_282 : memref<10240x128xf32, #tpu.memory_space<vmem_shared>>) offsets(%dma_start3A_279 : memref<80xi32, #tpu.memory_space<vmem>>) semaphore(%arg10 : memref<!tpu.dma_semaphore, #tpu.memory_space<semaphore_mem>>) {add = true}
      } else {
      }
      %ge3A = arith.constant 2 : i32
      %ge3A_241 = arith.cmpi sge, %scan3A_238, %ge3A : i32
      %convert_element_type3A_242 = arith.extui %ge3A_241 : i1 to i32
      %cond3A_243 = arith.constant 0 : i32
      %cond3A_244 = arith.cmpi ne, %convert_element_type3A_242, %cond3A_243 : i32
      scf.if %cond3A_244 {
        %sub3A = arith.constant 2 : i32
        %sub3A_259 = arith.subi %scan3A_238, %sub3A : i32
        %rem3A_260 = arith.constant 8 : i32
        %rem3A_261 = arith.remsi %sub3A_259, %rem3A_260 : i32
        %rem3A_262 = arith.constant 4 : i32
        %rem3A_263 = arith.remsi %sub3A_259, %rem3A_262 : i32
        %mul3A_264 = arith.constant 80 : i32
        %mul3A_265 = arith.muli %rem3A_263, %mul3A_264 : i32
        %dma_wait3A_266 = arith.constant 1 : i32
        %dma_wait3A_267 = arith.constant 0 : i32
        %dma_wait3A_268 = tpu.memref_slice %arg6[%mul3A_265, %dma_wait3A_267] : memref<320x128xf32, #tpu.memory_space<vmem>> -> memref<80x128xf32, #tpu.memory_space<vmem>>
        %dma_wait3A_269 = arith.constant 0 : i32
        %dma_wait3A_270 = tpu.memref_slice %arg5[%rem3A_261, %dma_wait3A_266, %dma_wait3A_269] : memref<8x2x80xi32, #tpu.memory_space<vmem>> -> memref<1x1x80xi32, #tpu.memory_space<vmem>>
        %dma_wait3A_271 = tpu.memref_squeeze %dma_wait3A_270 : memref<1x1x80xi32, #tpu.memory_space<vmem>> -> memref<80xi32, #tpu.memory_space<vmem>>
        %dma_wait3A_272 = arith.constant 0 : i32
        %dma_wait3A_273 = arith.constant 0 : i32
        %dma_wait3A_274 = tpu.memref_slice %arg7[%dma_wait3A_272, %dma_wait3A_273] : memref<10240x128xf32, #tpu.memory_space<vmem_shared>> -> memref<10240x128xf32, #tpu.memory_space<vmem_shared>>
        tpu.wait_indirect_dma semaphore(%arg10 : memref<!tpu.dma_semaphore, #tpu.memory_space<semaphore_mem>>) src(%dma_wait3A_268 : memref<80x128xf32, #tpu.memory_space<vmem>>) dst(%dma_wait3A_274 : memref<10240x128xf32, #tpu.memory_space<vmem_shared>>)
      } else {
      }
      %add3A_245 = arith.constant 2 : i32
      %add3A_246 = arith.addi %scan3A_238, %add3A_245 : i32
      %lt3A_247 = arith.constant 125 : i32
      %lt3A_248 = arith.cmpi slt, %add3A_246, %lt3A_247 : i32
      %convert_element_type3A_249 = arith.extui %lt3A_248 : i1 to i32
      %cond3A_250 = arith.constant 0 : i32
      %cond3A_251 = arith.cmpi ne, %convert_element_type3A_249, %cond3A_250 : i32
      scf.if %cond3A_251 {
        %add3A_259 = arith.constant 2 : i32
        %add3A_260 = arith.addi %scan3A_238, %add3A_259 : i32
        %rem3A_261 = arith.constant 8 : i32
        %rem3A_262 = arith.remsi %add3A_260, %rem3A_261 : i32
        %dma_wait3A_263 = arith.constant 0 : i32
        %dma_wait3A_264 = arith.constant 0 : i32
        %dma_wait3A_265 = arith.constant 0 : i32
        %dma_wait3A_266 = tpu.memref_slice %arg5[%rem3A_262, %dma_wait3A_264, %dma_wait3A_265] : memref<8x2x80xi32, #tpu.memory_space<vmem>> -> memref<1x1x80xi32, #tpu.memory_space<vmem>>
        %dma_wait3A_267 = tpu.memref_squeeze %dma_wait3A_266 : memref<1x1x80xi32, #tpu.memory_space<vmem>> -> memref<80xi32, #tpu.memory_space<vmem>>
        %dma_wait3A_268 = arith.constant 0 : i32
        %dma_wait3A_269 = tpu.memref_slice %arg3[%dma_wait3A_263, %add3A, %add3A_260, %dma_wait3A_268] : memref<2x32x125x80xi32, #tpu.memory_space<hbm>> -> memref<1x1x1x80xi32, #tpu.memory_space<hbm>>
        %dma_wait3A_270 = tpu.memref_squeeze %dma_wait3A_269 : memref<1x1x1x80xi32, #tpu.memory_space<hbm>> -> memref<80xi32, #tpu.memory_space<hbm>>
        %dma_wait3A_271 = arith.constant 0 : i32
        %dma_wait3A_272 = tpu.memref_slice %arg5[%rem3A_262, %dma_wait3A_264, %dma_wait3A_271] : memref<8x2x80xi32, #tpu.memory_space<vmem>> -> memref<1x1x80xi32, #tpu.memory_space<vmem>>
        %dma_wait3A_273 = tpu.memref_squeeze %dma_wait3A_272 : memref<1x1x80xi32, #tpu.memory_space<vmem>> -> memref<80xi32, #tpu.memory_space<vmem>>
        %dma_wait3A_274 = arith.constant 0 : i32
        %dma_wait3A_275 = tpu.memref_slice %arg3[%dma_wait3A_263, %add3A, %add3A_260, %dma_wait3A_274] : memref<2x32x125x80xi32, #tpu.memory_space<hbm>> -> memref<1x1x1x80xi32, #tpu.memory_space<hbm>>
        %dma_wait3A_276 = tpu.memref_squeeze %dma_wait3A_275 : memref<1x1x1x80xi32, #tpu.memory_space<hbm>> -> memref<80xi32, #tpu.memory_space<hbm>>
        tpu.wait_dma2 semaphore(%arg8 : memref<!tpu.dma_semaphore, #tpu.memory_space<semaphore_mem>>) src(%dma_wait3A_276 : memref<80xi32, #tpu.memory_space<hbm>>) dst(%dma_wait3A_273 : memref<80xi32, #tpu.memory_space<vmem>>)
        %dma_wait3A_277 = arith.constant 1 : i32
        %dma_wait3A_278 = arith.constant 1 : i32
        %dma_wait3A_279 = arith.constant 0 : i32
        %dma_wait3A_280 = tpu.memref_slice %arg5[%rem3A_262, %dma_wait3A_278, %dma_wait3A_279] : memref<8x2x80xi32, #tpu.memory_space<vmem>> -> memref<1x1x80xi32, #tpu.memory_space<vmem>>
        %dma_wait3A_281 = tpu.memref_squeeze %dma_wait3A_280 : memref<1x1x80xi32, #tpu.memory_space<vmem>> -> memref<80xi32, #tpu.memory_space<vmem>>
        %dma_wait3A_282 = arith.constant 0 : i32
        %dma_wait3A_283 = tpu.memref_slice %arg3[%dma_wait3A_277, %add3A, %add3A_260, %dma_wait3A_282] : memref<2x32x125x80xi32, #tpu.memory_space<hbm>> -> memref<1x1x1x80xi32, #tpu.memory_space<hbm>>
        %dma_wait3A_284 = tpu.memref_squeeze %dma_wait3A_283 : memref<1x1x1x80xi32, #tpu.memory_space<hbm>> -> memref<80xi32, #tpu.memory_space<hbm>>
        %dma_wait3A_285 = arith.constant 0 : i32
        %dma_wait3A_286 = tpu.memref_slice %arg5[%rem3A_262, %dma_wait3A_278, %dma_wait3A_285] : memref<8x2x80xi32, #tpu.memory_space<vmem>> -> memref<1x1x80xi32, #tpu.memory_space<vmem>>
        %dma_wait3A_287 = tpu.memref_squeeze %dma_wait3A_286 : memref<1x1x80xi32, #tpu.memory_space<vmem>> -> memref<80xi32, #tpu.memory_space<vmem>>
        %dma_wait3A_288 = arith.constant 0 : i32
        %dma_wait3A_289 = tpu.memref_slice %arg3[%dma_wait3A_277, %add3A, %add3A_260, %dma_wait3A_288] : memref<2x32x125x80xi32, #tpu.memory_space<hbm>> -> memref<1x1x1x80xi32, #tpu.memory_space<hbm>>
        %dma_wait3A_290 = tpu.memref_squeeze %dma_wait3A_289 : memref<1x1x1x80xi32, #tpu.memory_space<hbm>> -> memref<80xi32, #tpu.memory_space<hbm>>
        tpu.wait_dma2 semaphore(%arg8 : memref<!tpu.dma_semaphore, #tpu.memory_space<semaphore_mem>>) src(%dma_wait3A_290 : memref<80xi32, #tpu.memory_space<hbm>>) dst(%dma_wait3A_287 : memref<80xi32, #tpu.memory_space<vmem>>)
        %rem3A_291 = arith.constant 4 : i32
        %rem3A_292 = arith.remsi %add3A_260, %rem3A_291 : i32
        %mul3A_293 = arith.constant 80 : i32
        %mul3A_294 = arith.muli %rem3A_292, %mul3A_293 : i32
        %dma_start3A_295 = arith.constant 0 : i32
        %dma_start3A_296 = arith.constant 0 : i32
        %dma_start3A_297 = tpu.memref_slice %arg6[%mul3A_294, %dma_start3A_296] : memref<320x128xf32, #tpu.memory_space<vmem>> -> memref<80x128xf32, #tpu.memory_space<vmem>>
        %dma_start3A_298 = arith.constant 0 : i32
        %dma_start3A_299 = tpu.memref_slice %arg5[%rem3A_262, %dma_start3A_295, %dma_start3A_298] : memref<8x2x80xi32, #tpu.memory_space<vmem>> -> memref<1x1x80xi32, #tpu.memory_space<vmem>>
        %dma_start3A_300 = tpu.memref_squeeze %dma_start3A_299 : memref<1x1x80xi32, #tpu.memory_space<vmem>> -> memref<80xi32, #tpu.memory_space<vmem>>
        %dma_start3A_301 = arith.constant 0 : i32
        %dma_start3A_302 = arith.constant 0 : i32
        %dma_start3A_303 = tpu.memref_slice %arg2[%dma_start3A_301, %dma_start3A_302] : memref<10240x128xf32, #tpu.memory_space<hbm>> -> memref<10240x128xf32, #tpu.memory_space<hbm>>
        tpu.enqueue_indirect_dma source(%dma_start3A_303 : memref<10240x128xf32, #tpu.memory_space<hbm>>) target(%dma_start3A_297 : memref<80x128xf32, #tpu.memory_space<vmem>>) offsets(%dma_start3A_300 : memref<80xi32, #tpu.memory_space<vmem>>) semaphore(%arg9 : memref<!tpu.dma_semaphore, #tpu.memory_space<semaphore_mem>>)
      } else {
      }
      %add3A_252 = arith.constant 4 : i32
      %add3A_253 = arith.addi %scan3A_238, %add3A_252 : i32
      %lt3A_254 = arith.constant 125 : i32
      %lt3A_255 = arith.cmpi slt, %add3A_253, %lt3A_254 : i32
      %convert_element_type3A_256 = arith.extui %lt3A_255 : i1 to i32
      %cond3A_257 = arith.constant 0 : i32
      %cond3A_258 = arith.cmpi ne, %convert_element_type3A_256, %cond3A_257 : i32
      scf.if %cond3A_258 {
        %add3A_259 = arith.constant 4 : i32
        %add3A_260 = arith.addi %scan3A_238, %add3A_259 : i32
        %rem3A_261 = arith.constant 8 : i32
        %rem3A_262 = arith.remsi %add3A_260, %rem3A_261 : i32
        %dma_start3A_263 = arith.constant 0 : i32
        %dma_start3A_264 = arith.constant 0 : i32
        %dma_start3A_265 = arith.constant 0 : i32
        %dma_start3A_266 = tpu.memref_slice %arg5[%rem3A_262, %dma_start3A_264, %dma_start3A_265] : memref<8x2x80xi32, #tpu.memory_space<vmem>> -> memref<1x1x80xi32, #tpu.memory_space<vmem>>
        %dma_start3A_267 = tpu.memref_squeeze %dma_start3A_266 : memref<1x1x80xi32, #tpu.memory_space<vmem>> -> memref<80xi32, #tpu.memory_space<vmem>>
        %dma_start3A_268 = arith.constant 0 : i32
        %dma_start3A_269 = tpu.memref_slice %arg3[%dma_start3A_263, %add3A, %add3A_260, %dma_start3A_268] : memref<2x32x125x80xi32, #tpu.memory_space<hbm>> -> memref<1x1x1x80xi32, #tpu.memory_space<hbm>>
        %dma_start3A_270 = tpu.memref_squeeze %dma_start3A_269 : memref<1x1x1x80xi32, #tpu.memory_space<hbm>> -> memref<80xi32, #tpu.memory_space<hbm>>
        %dma_start3A_271 = arith.constant 0 : i32
        %dma_start3A_272 = tpu.memref_slice %arg5[%rem3A_262, %dma_start3A_264, %dma_start3A_271] : memref<8x2x80xi32, #tpu.memory_space<vmem>> -> memref<1x1x80xi32, #tpu.memory_space<vmem>>
        %dma_start3A_273 = tpu.memref_squeeze %dma_start3A_272 : memref<1x1x80xi32, #tpu.memory_space<vmem>> -> memref<80xi32, #tpu.memory_space<vmem>>
        %dma_start3A_274 = arith.constant 0 : i32
        %dma_start3A_275 = tpu.memref_slice %arg3[%dma_start3A_263, %add3A, %add3A_260, %dma_start3A_274] : memref<2x32x125x80xi32, #tpu.memory_space<hbm>> -> memref<1x1x1x80xi32, #tpu.memory_space<hbm>>
        %dma_start3A_276 = tpu.memref_squeeze %dma_start3A_275 : memref<1x1x1x80xi32, #tpu.memory_space<hbm>> -> memref<80xi32, #tpu.memory_space<hbm>>
        tpu.enqueue_dma source(%dma_start3A_276 : memref<80xi32, #tpu.memory_space<hbm>>) target(%dma_start3A_273 : memref<80xi32, #tpu.memory_space<vmem>>) target_semaphore(%arg8 : memref<!tpu.dma_semaphore, #tpu.memory_space<semaphore_mem>>)
        %dma_start3A_277 = arith.constant 1 : i32
        %dma_start3A_278 = arith.constant 1 : i32
        %dma_start3A_279 = arith.constant 0 : i32
        %dma_start3A_280 = tpu.memref_slice %arg5[%rem3A_262, %dma_start3A_278, %dma_start3A_279] : memref<8x2x80xi32, #tpu.memory_space<vmem>> -> memref<1x1x80xi32, #tpu.memory_space<vmem>>
        %dma_start3A_281 = tpu.memref_squeeze %dma_start3A_280 : memref<1x1x80xi32, #tpu.memory_space<vmem>> -> memref<80xi32, #tpu.memory_space<vmem>>
        %dma_start3A_282 = arith.constant 0 : i32
        %dma_start3A_283 = tpu.memref_slice %arg3[%dma_start3A_277, %add3A, %add3A_260, %dma_start3A_282] : memref<2x32x125x80xi32, #tpu.memory_space<hbm>> -> memref<1x1x1x80xi32, #tpu.memory_space<hbm>>
        %dma_start3A_284 = tpu.memref_squeeze %dma_start3A_283 : memref<1x1x1x80xi32, #tpu.memory_space<hbm>> -> memref<80xi32, #tpu.memory_space<hbm>>
        %dma_start3A_285 = arith.constant 0 : i32
        %dma_start3A_286 = tpu.memref_slice %arg5[%rem3A_262, %dma_start3A_278, %dma_start3A_285] : memref<8x2x80xi32, #tpu.memory_space<vmem>> -> memref<1x1x80xi32, #tpu.memory_space<vmem>>
        %dma_start3A_287 = tpu.memref_squeeze %dma_start3A_286 : memref<1x1x80xi32, #tpu.memory_space<vmem>> -> memref<80xi32, #tpu.memory_space<vmem>>
        %dma_start3A_288 = arith.constant 0 : i32
        %dma_start3A_289 = tpu.memref_slice %arg3[%dma_start3A_277, %add3A, %add3A_260, %dma_start3A_288] : memref<2x32x125x80xi32, #tpu.memory_space<hbm>> -> memref<1x1x1x80xi32, #tpu.memory_space<hbm>>
        %dma_start3A_290 = tpu.memref_squeeze %dma_start3A_289 : memref<1x1x1x80xi32, #tpu.memory_space<hbm>> -> memref<80xi32, #tpu.memory_space<hbm>>
        tpu.enqueue_dma source(%dma_start3A_290 : memref<80xi32, #tpu.memory_space<hbm>>) target(%dma_start3A_287 : memref<80xi32, #tpu.memory_space<vmem>>) target_semaphore(%arg8 : memref<!tpu.dma_semaphore, #tpu.memory_space<semaphore_mem>>)
      } else {
      }
    }
    %scan3A_232 = arith.constant 127 : i32
    %barrier3A_233 = arith.constant 0 : index
    tpu.barrier barrier_id(%barrier3A_233)
    %mul3A_234 = arith.constant 640 : i32
    %mul3A_235 = arith.muli %arg1, %mul3A_234 : i32
    %mul3A_236 = arith.constant 640 : i32
    %mul3A_237 = arith.muli %arg1, %mul3A_236 : i32
    "tpu.region"() ({
      %run_scoped3A = tpu.sem_alloc : memref<!tpu.dma_semaphore, #tpu.memory_space<semaphore_mem>>
      %dma_start3A_238 = arith.constant 0 : i32
      %dma_start3A_239 = tpu.memref_slice %arg4[%arg0, %mul3A_237, %dma_start3A_238] : memref<2x10240x128xf32, #tpu.memory_space<hbm>> -> memref<1x640x128xf32, #tpu.memory_space<hbm>>
      %dma_start3A_240 = tpu.memref_squeeze %dma_start3A_239 : memref<1x640x128xf32, #tpu.memory_space<hbm>> -> memref<640x128xf32, #tpu.memory_space<hbm>>
      %dma_start3A_241 = arith.constant 0 : i32
      %dma_start3A_242 = tpu.memref_slice %arg7[%mul3A_235, %dma_start3A_241] : memref<10240x128xf32, #tpu.memory_space<vmem_shared>> -> memref<640x128xf32, #tpu.memory_space<vmem_shared>>
      tpu.enqueue_dma source(%dma_start3A_242 : memref<640x128xf32, #tpu.memory_space<vmem_shared>>) target(%dma_start3A_240 : memref<640x128xf32, #tpu.memory_space<hbm>>) target_semaphore(%run_scoped3A : memref<!tpu.dma_semaphore, #tpu.memory_space<semaphore_mem>>)
      %dma_wait3A_243 = arith.constant 0 : i32
      %dma_wait3A_244 = tpu.memref_slice %arg4[%arg0, %mul3A_237, %dma_wait3A_243] : memref<2x10240x128xf32, #tpu.memory_space<hbm>> -> memref<1x640x128xf32, #tpu.memory_space<hbm>>
      %dma_wait3A_245 = tpu.memref_squeeze %dma_wait3A_244 : memref<1x640x128xf32, #tpu.memory_space<hbm>> -> memref<640x128xf32, #tpu.memory_space<hbm>>
      %dma_wait3A_246 = arith.constant 0 : i32
      %dma_wait3A_247 = tpu.memref_slice %arg7[%mul3A_235, %dma_wait3A_246] : memref<10240x128xf32, #tpu.memory_space<vmem_shared>> -> memref<640x128xf32, #tpu.memory_space<vmem_shared>>
      tpu.wait_dma2 semaphore(%run_scoped3A : memref<!tpu.dma_semaphore, #tpu.memory_space<semaphore_mem>>) src(%dma_wait3A_247 : memref<640x128xf32, #tpu.memory_space<vmem_shared>>) dst(%dma_wait3A_245 : memref<640x128xf32, #tpu.memory_space<hbm>>)
      tpu.yield
    }) : () -> ()
    return
  }
}

module attributes {stable_mosaic.version = 14 : i64} {
  func.func @_mid_body(%arg0: i32, %arg1: memref<1x2048x128xf32, #tpu.memory_space<vmem>>, %arg2: memref<1x2048x128xf32, #tpu.memory_space<vmem>>, %arg3: memref<2048x128xf32, #tpu.memory_space<vmem>>, %arg4: memref<1x2048xf32, #tpu.memory_space<vmem>>, %arg5: memref<1x128xf32, #tpu.memory_space<vmem>>, %arg6: memref<128x128xf32, #tpu.memory_space<vmem>>, %arg7: memref<2048x128xf32, #tpu.memory_space<vmem>>) attributes {dimension_semantics = [#tpu.dimension_semantics<arbitrary>], iteration_bounds = array<i64: 5>, scalar_prefetch = 0 : i64, scratch_operands = 0 : i64, tpu.core_type = #tpu.core_type<tc>, window_params = [{transform_indices = @transform_0, window_bounds = array<i64: 1, 2048, 128>}, {transform_indices = @transform_1, window_bounds = array<i64: 1, 2048, 128>}, {transform_indices = @transform_2, window_bounds = array<i64: 2048, 128>}, {transform_indices = @transform_3, window_bounds = array<i64: 1, 2048>}, {pipeline_mode = #tpu.pipeline_mode<synchronous>, transform_indices = @transform_4, window_bounds = array<i64: 1, 128>}, {pipeline_mode = #tpu.pipeline_mode<synchronous>, transform_indices = @transform_5, window_bounds = array<i64: 128, 128>}, {transform_indices = @transform_6, window_bounds = array<i64: 2048, 128>}]} {
    %get3A = arith.constant 0 : index
    %get3A_0 = arith.constant 0 : index
    %get3A_1 = vector.load %arg4[%get3A, %get3A_0] : memref<1x2048xf32, #tpu.memory_space<vmem>>, vector<1x2048xf32>
    %transpose3A = tpu.transpose %get3A_1, [1, 0] : vector<1x2048xf32> -> vector<2048x1xf32>
    %get3A_2 = arith.constant 0 : index
    %get3A_3 = arith.constant 0 : index
    %get3A_4 = arith.constant 0 : index
    %get3A_5 = vector.load %arg1[%get3A_2, %get3A_3, %get3A_4] : memref<1x2048x128xf32, #tpu.memory_space<vmem>>, vector<1x2048x128xf32>
    %get3A_6 = vector.shape_cast %get3A_5 : vector<1x2048x128xf32> to vector<2048x128xf32>
    %get3A_7 = arith.constant 0 : index
    %get3A_8 = arith.constant 0 : index
    %get3A_9 = arith.constant 0 : index
    %get3A_10 = vector.load %arg2[%get3A_7, %get3A_8, %get3A_9] : memref<1x2048x128xf32, #tpu.memory_space<vmem>>, vector<1x2048x128xf32>
    %get3A_11 = vector.shape_cast %get3A_10 : vector<1x2048x128xf32> to vector<2048x128xf32>
    %add3A = arith.addf %get3A_6, %get3A_11 : vector<2048x128xf32>
    %get3A_12 = arith.constant 0 : index
    %get3A_13 = arith.constant 0 : index
    %get3A_14 = vector.load %arg3[%get3A_12, %get3A_13] : memref<2048x128xf32, #tpu.memory_space<vmem>>, vector<2048x128xf32>
    %sub3A = arith.subf %add3A, %get3A_14 : vector<2048x128xf32>
    %mul3A = vector.broadcast %transpose3A : vector<2048x1xf32> to vector<2048x128xf32>
    %mul3A_15 = arith.mulf %mul3A, %sub3A : vector<2048x128xf32>
    %get3A_16 = arith.constant 0 : index
    %get3A_17 = arith.constant 0 : index
    %get3A_18 = vector.load %arg5[%get3A_16, %get3A_17] : memref<1x128xf32, #tpu.memory_space<vmem>>, vector<1x128xf32>
    %add3A_19 = vector.broadcast %get3A_18 : vector<1x128xf32> to vector<2048x128xf32>
    %add3A_20 = arith.addf %mul3A_15, %add3A_19 : vector<2048x128xf32>
    %max3A = arith.constant 0.000000e+00 : f32
    %max3A_21 = vector.broadcast %max3A : f32 to vector<2048x128xf32>
    %max3A_22 = arith.maximumf %add3A_20, %max3A_21 : vector<2048x128xf32>
    %get3A_23 = arith.constant 0 : index
    %get3A_24 = arith.constant 0 : index
    %get3A_25 = vector.load %arg6[%get3A_23, %get3A_24] : memref<128x128xf32, #tpu.memory_space<vmem>>, vector<128x128xf32>
    %dot_general3A = arith.constant dense<0.000000e+00> : vector<2048x128xf32>
    %dot_general3A_26 = tpu.matmul %max3A_22, %get3A_25, %dot_general3A {dimension_numbers = #tpu.dot_dimension_numbers<[1], [0], [0], [1], [0, 0, 1, 1], [], []>, transpose_lhs_hint = false} : vector<2048x128xf32>, vector<128x128xf32>, vector<2048x128xf32> -> vector<2048x128xf32>
    %mul3A_27 = vector.broadcast %transpose3A : vector<2048x1xf32> to vector<2048x128xf32>
    %mul3A_28 = arith.mulf %mul3A_27, %dot_general3A_26 : vector<2048x128xf32>
    %swap3A = arith.constant 0 : index
    %swap3A_29 = arith.constant 0 : index
    %swap3A_30 = vector.load %arg7[%swap3A, %swap3A_29] : memref<2048x128xf32, #tpu.memory_space<vmem>>, vector<2048x128xf32>
    tpu.vector_store %arg7[%swap3A, %swap3A_29], %mul3A_28 {strides = array<i32>} : memref<2048x128xf32, #tpu.memory_space<vmem>>, vector<2048x128xf32>,
    return
  }
  func.func @transform_0(%arg0: i32) -> (i32, i32, i32) {
    %c0_i32 = arith.constant 0 : i32
    %c0_i32_0 = arith.constant 0 : i32
    %c0_i32_1 = arith.constant 0 : i32
    return %c0_i32, %arg0, %c0_i32_0 : i32, i32, i32
  }
  func.func @transform_1(%arg0: i32) -> (i32, i32, i32) {
    %c1_i32 = arith.constant 1 : i32
    %c0_i32 = arith.constant 0 : i32
    %c0_i32_0 = arith.constant 0 : i32
    return %c1_i32, %arg0, %c0_i32 : i32, i32, i32
  }
  func.func @transform_2(%arg0: i32) -> (i32, i32) {
    %c0_i32 = arith.constant 0 : i32
    %c0_i32_0 = arith.constant 0 : i32
    return %arg0, %c0_i32 : i32, i32
  }
  func.func @transform_3(%arg0: i32) -> (i32, i32) {
    %c0_i32 = arith.constant 0 : i32
    %c0_i32_0 = arith.constant 0 : i32
    return %c0_i32, %arg0 : i32, i32
  }
  func.func @transform_4(%arg0: i32) -> (i32, i32) {
    %c0_i32 = arith.constant 0 : i32
    %c0_i32_0 = arith.constant 0 : i32
    %c0_i32_1 = arith.constant 0 : i32
    return %c0_i32, %c0_i32_0 : i32, i32
  }
  func.func @transform_5(%arg0: i32) -> (i32, i32) {
    %c0_i32 = arith.constant 0 : i32
    %c0_i32_0 = arith.constant 0 : i32
    %c0_i32_1 = arith.constant 0 : i32
    return %c0_i32, %c0_i32_0 : i32, i32
  }
  func.func @transform_6(%arg0: i32) -> (i32, i32) {
    %c0_i32 = arith.constant 0 : i32
    %c0_i32_0 = arith.constant 0 : i32
    return %arg0, %c0_i32 : i32, i32
  }
}

module attributes {stable_mosaic.version = 14 : i64} {
  func.func @_mmscale_body(%arg0: i32, %arg1: memref<1x2048xf32, #tpu.memory_space<vmem>>, %arg2: memref<2048x128xf32, #tpu.memory_space<vmem>>, %arg3: memref<128x128xf32, #tpu.memory_space<vmem>>, %arg4: memref<2048x128xf32, #tpu.memory_space<vmem>>, %arg5: memref<1x2048xf32, #tpu.memory_space<vmem>>) attributes {dimension_semantics = [#tpu.dimension_semantics<arbitrary>], iteration_bounds = array<i64: 5>, scalar_prefetch = 0 : i64, scratch_operands = 0 : i64, tpu.core_type = #tpu.core_type<tc>, window_params = [{transform_indices = @transform_0, window_bounds = array<i64: 1, 2048>}, {transform_indices = @transform_1, window_bounds = array<i64: 2048, 128>}, {pipeline_mode = #tpu.pipeline_mode<synchronous>, transform_indices = @transform_2, window_bounds = array<i64: 128, 128>}, {transform_indices = @transform_3, window_bounds = array<i64: 2048, 128>}, {transform_indices = @transform_4, window_bounds = array<i64: 1, 2048>}]} {
    %get3A = arith.constant 0 : index
    %get3A_0 = arith.constant 0 : index
    %get3A_1 = vector.load %arg1[%get3A, %get3A_0] : memref<1x2048xf32, #tpu.memory_space<vmem>>, vector<1x2048xf32>
    %add3A = arith.constant 1.000000e+00 : f32
    %add3A_2 = vector.broadcast %add3A : f32 to vector<1x2048xf32>
    %add3A_3 = arith.addf %get3A_1, %add3A_2 : vector<1x2048xf32>
    %rsqrt3A = math.rsqrt %add3A_3 : vector<1x2048xf32>
    %swap3A = arith.constant 0 : index
    %swap3A_4 = arith.constant 0 : index
    %swap3A_5 = vector.load %arg5[%swap3A, %swap3A_4] : memref<1x2048xf32, #tpu.memory_space<vmem>>, vector<1x2048xf32>
    tpu.vector_store %arg5[%swap3A, %swap3A_4], %rsqrt3A {strides = array<i32>} : memref<1x2048xf32, #tpu.memory_space<vmem>>, vector<1x2048xf32>,
    %get3A_6 = arith.constant 0 : index
    %get3A_7 = arith.constant 0 : index
    %get3A_8 = vector.load %arg2[%get3A_6, %get3A_7] : memref<2048x128xf32, #tpu.memory_space<vmem>>, vector<2048x128xf32>
    %get3A_9 = arith.constant 0 : index
    %get3A_10 = arith.constant 0 : index
    %get3A_11 = vector.load %arg3[%get3A_9, %get3A_10] : memref<128x128xf32, #tpu.memory_space<vmem>>, vector<128x128xf32>
    %dot_general3A = arith.constant dense<0.000000e+00> : vector<2048x128xf32>
    %dot_general3A_12 = tpu.matmul %get3A_8, %get3A_11, %dot_general3A {dimension_numbers = #tpu.dot_dimension_numbers<[1], [0], [0], [1], [0, 0, 1, 1], [], []>, transpose_lhs_hint = false} : vector<2048x128xf32>, vector<128x128xf32>, vector<2048x128xf32> -> vector<2048x128xf32>
    %transpose3A = tpu.transpose %rsqrt3A, [1, 0] : vector<1x2048xf32> -> vector<2048x1xf32>
    %mul3A = vector.broadcast %transpose3A : vector<2048x1xf32> to vector<2048x128xf32>
    %mul3A_13 = arith.mulf %dot_general3A_12, %mul3A : vector<2048x128xf32>
    %swap3A_14 = arith.constant 0 : index
    %swap3A_15 = arith.constant 0 : index
    %swap3A_16 = vector.load %arg4[%swap3A_14, %swap3A_15] : memref<2048x128xf32, #tpu.memory_space<vmem>>, vector<2048x128xf32>
    tpu.vector_store %arg4[%swap3A_14, %swap3A_15], %mul3A_13 {strides = array<i32>} : memref<2048x128xf32, #tpu.memory_space<vmem>>, vector<2048x128xf32>,
    return
  }
  func.func @transform_0(%arg0: i32) -> (i32, i32) {
    %c0_i32 = arith.constant 0 : i32
    %c0_i32_0 = arith.constant 0 : i32
    return %c0_i32, %arg0 : i32, i32
  }
  func.func @transform_1(%arg0: i32) -> (i32, i32) {
    %c0_i32 = arith.constant 0 : i32
    %c0_i32_0 = arith.constant 0 : i32
    return %arg0, %c0_i32 : i32, i32
  }
  func.func @transform_2(%arg0: i32) -> (i32, i32) {
    %c0_i32 = arith.constant 0 : i32
    %c0_i32_0 = arith.constant 0 : i32
    %c0_i32_1 = arith.constant 0 : i32
    return %c0_i32, %c0_i32_0 : i32, i32
  }
  func.func @transform_3(%arg0: i32) -> (i32, i32) {
    %c0_i32 = arith.constant 0 : i32
    %c0_i32_0 = arith.constant 0 : i32
    return %arg0, %c0_i32 : i32, i32
  }
  func.func @transform_4(%arg0: i32) -> (i32, i32) {
    %c0_i32 = arith.constant 0 : i32
    %c0_i32_0 = arith.constant 0 : i32
    return %c0_i32, %arg0 : i32, i32
  }
}

module attributes {stable_mosaic.version = 14 : i64} {
  func.func @_final_body(%arg0: i32, %arg1: memref<1x2048x128xf32, #tpu.memory_space<vmem>>, %arg2: memref<1x2048x128xf32, #tpu.memory_space<vmem>>, %arg3: memref<2048x128xf32, #tpu.memory_space<vmem>>, %arg4: memref<1x2048xf32, #tpu.memory_space<vmem>>, %arg5: memref<1x128xf32, #tpu.memory_space<vmem>>, %arg6: memref<2048x128xf32, #tpu.memory_space<vmem>>) attributes {dimension_semantics = [#tpu.dimension_semantics<arbitrary>], iteration_bounds = array<i64: 5>, scalar_prefetch = 0 : i64, scratch_operands = 0 : i64, tpu.core_type = #tpu.core_type<tc>, window_params = [{transform_indices = @transform_0, window_bounds = array<i64: 1, 2048, 128>}, {transform_indices = @transform_1, window_bounds = array<i64: 1, 2048, 128>}, {transform_indices = @transform_2, window_bounds = array<i64: 2048, 128>}, {transform_indices = @transform_3, window_bounds = array<i64: 1, 2048>}, {pipeline_mode = #tpu.pipeline_mode<synchronous>, transform_indices = @transform_4, window_bounds = array<i64: 1, 128>}, {transform_indices = @transform_5, window_bounds = array<i64: 2048, 128>}]} {
    %get3A = arith.constant 0 : index
    %get3A_0 = arith.constant 0 : index
    %get3A_1 = vector.load %arg4[%get3A, %get3A_0] : memref<1x2048xf32, #tpu.memory_space<vmem>>, vector<1x2048xf32>
    %transpose3A = tpu.transpose %get3A_1, [1, 0] : vector<1x2048xf32> -> vector<2048x1xf32>
    %get3A_2 = arith.constant 0 : index
    %get3A_3 = arith.constant 0 : index
    %get3A_4 = arith.constant 0 : index
    %get3A_5 = vector.load %arg1[%get3A_2, %get3A_3, %get3A_4] : memref<1x2048x128xf32, #tpu.memory_space<vmem>>, vector<1x2048x128xf32>
    %get3A_6 = vector.shape_cast %get3A_5 : vector<1x2048x128xf32> to vector<2048x128xf32>
    %get3A_7 = arith.constant 0 : index
    %get3A_8 = arith.constant 0 : index
    %get3A_9 = arith.constant 0 : index
    %get3A_10 = vector.load %arg2[%get3A_7, %get3A_8, %get3A_9] : memref<1x2048x128xf32, #tpu.memory_space<vmem>>, vector<1x2048x128xf32>
    %get3A_11 = vector.shape_cast %get3A_10 : vector<1x2048x128xf32> to vector<2048x128xf32>
    %add3A = arith.addf %get3A_6, %get3A_11 : vector<2048x128xf32>
    %get3A_12 = arith.constant 0 : index
    %get3A_13 = arith.constant 0 : index
    %get3A_14 = vector.load %arg3[%get3A_12, %get3A_13] : memref<2048x128xf32, #tpu.memory_space<vmem>>, vector<2048x128xf32>
    %sub3A = arith.subf %add3A, %get3A_14 : vector<2048x128xf32>
    %mul3A = vector.broadcast %transpose3A : vector<2048x1xf32> to vector<2048x128xf32>
    %mul3A_15 = arith.mulf %mul3A, %sub3A : vector<2048x128xf32>
    %get3A_16 = arith.constant 0 : index
    %get3A_17 = arith.constant 0 : index
    %get3A_18 = vector.load %arg5[%get3A_16, %get3A_17] : memref<1x128xf32, #tpu.memory_space<vmem>>, vector<1x128xf32>
    %add3A_19 = vector.broadcast %get3A_18 : vector<1x128xf32> to vector<2048x128xf32>
    %add3A_20 = arith.addf %mul3A_15, %add3A_19 : vector<2048x128xf32>
    %swap3A = arith.constant 0 : index
    %swap3A_21 = arith.constant 0 : index
    %swap3A_22 = vector.load %arg6[%swap3A, %swap3A_21] : memref<2048x128xf32, #tpu.memory_space<vmem>>, vector<2048x128xf32>
    tpu.vector_store %arg6[%swap3A, %swap3A_21], %add3A_20 {strides = array<i32>} : memref<2048x128xf32, #tpu.memory_space<vmem>>, vector<2048x128xf32>,
    return
  }
  func.func @transform_0(%arg0: i32) -> (i32, i32, i32) {
    %c0_i32 = arith.constant 0 : i32
    %c0_i32_0 = arith.constant 0 : i32
    %c0_i32_1 = arith.constant 0 : i32
    return %c0_i32, %arg0, %c0_i32_0 : i32, i32, i32
  }
  func.func @transform_1(%arg0: i32) -> (i32, i32, i32) {
    %c1_i32 = arith.constant 1 : i32
    %c0_i32 = arith.constant 0 : i32
    %c0_i32_0 = arith.constant 0 : i32
    return %c1_i32, %arg0, %c0_i32 : i32, i32, i32
  }
  func.func @transform_2(%arg0: i32) -> (i32, i32) {
    %c0_i32 = arith.constant 0 : i32
    %c0_i32_0 = arith.constant 0 : i32
    return %arg0, %c0_i32 : i32, i32
  }
  func.func @transform_3(%arg0: i32) -> (i32, i32) {
    %c0_i32 = arith.constant 0 : i32
    %c0_i32_0 = arith.constant 0 : i32
    return %c0_i32, %arg0 : i32, i32
  }
  func.func @transform_4(%arg0: i32) -> (i32, i32) {
    %c0_i32 = arith.constant 0 : i32
    %c0_i32_0 = arith.constant 0 : i32
    %c0_i32_1 = arith.constant 0 : i32
    return %c0_i32, %c0_i32_0 : i32, i32
  }
  func.func @transform_5(%arg0: i32) -> (i32, i32) {
    %c0_i32 = arith.constant 0 : i32
    %c0_i32_0 = arith.constant 0 : i32
    return %arg0, %c0_i32 : i32, i32
  }
}

</mosaic_0001>

<sc_bundles>
// kernel: kernel.11.cloned.1.call-start
scs
__scs_entry_jumppad:
0x0: {  	(pc) =	sbr.rel $0x88, $3  }
0x1: {  	(tag) =	ssettag $0x0;
	lr =	simm.s32 $0x1  }
0x2: {  	[smem:$0x3F9B] =	sst lr;
	_ =	strace $0xD0000000  }
0x3: {  	_ = 	snop  }
0x4: {  	_ = 	snop  }
0x5: {  	_ = 	snop  }
0x6: {  	_ = 	snop  }
0x7: {  	_ = 	snop  }
__scs_overlays_trampoline_lowered:
0x8: {  	[smem:$0x3FAA] =	sst s0  }
0x9: {  	[smem:$0x3FAB] =	sst s1  }
0xa: {  	[smem:$0x3FAC] =	sst s2  }
0xb: {  	[smem:$0x3FAD] =	sst s3  }
0xc: {  	[smem:$0x3FAE] =	sst s4  }
0xd: {  	[smem:$0x3FAF] =	sst s5  }
0xe: {  	[smem:$0x3FB0] =	sst s6  }
0xf: {  	[smem:$0x3FB1] =	sst s7  }
0x10: {  	[smem:$0x3FB2] =	sst s8  }
0x11: {  	[smem:$0x3FB3] =	sst s9;
	s0 =	simm.s32 @!p0 $0x0  }
0x12: {  	s1 =	sld [smem:$0x3F99];
	s0 =	simm.s32 @p0 $0x1  }
0x13: {  	[smem:$0x3FB4] =	sst s0;
	s0 =	simm.s32 @!p1 $0x0  }
0x14: {  	s2 =	sld [smem:$0x3F98];
	s0 =	simm.s32 @p1 $0x1  }
0x15: {  	[smem:$0x3FB5] =	sst s0;
	s0 =	simm.s32 @!p2 $0x0  }
0x16: {  	s3 =	sld [smem:$0x3FDB];
	s0 =	simm.s32 @p2 $0x1  }
0x17: {  	s4 =	simm.s32 $0x1BF5;
	[smem:$0x3FB7] =	sst s0  }
0x18: {  	s0 =	sld [smem:$0x3F9A];
	_ =	swait.ge [sflag:s4], $0x0  }
0x19: {  	s7 =	sld [smem:$0x3F9B]  }
0x1a: {  	s8 =	sadd.s32 $0xFFFFE003, lr  }
0x1b: {  	s9 =	sadd.s32 $0xFFFFFEF7, lr;
	s5 =	simm.s32 $0xFFFFFFFF;
	p2 =	slt.u32 s8, $0xFFFFF086  }
0x1c: {  	p1 =	slt.u32 s9, $0xF7A;
	s5 =	simm.s32 @!p2 $0x0  }
0x1d: {  	s5 =	simm.s32 @p1 $0x1;
	p0 =	seq.s32 s7, s2  }
0x1e: {  	s7 =	smul.u32 @!p0 $0xF7A, s2;
	p2 =	seq.s32 @!p0 s5, $0x0  }
0x1f: {  	s9 =	smul.u32 $0xF7A, s1;
	s8 =	simm.s32 @!p0 $0x1BF5;
	p2 =	por !p2, p0  }
0x20: {  	[sflag:s8] =	ssyncset.s32 @!p0 $0xFFFFF086;
	s6 =	sadd.s32 @!p0 s3, s7;
	s7 =	simm.s32 @!p0 $0x108  }
0x21: {  	s3 =	sadd.s32 s3, s9;
	s6 =	sadd.s32 @!p0 $0x88, s6;
	s7 =	simm.s32 @p2 $0x1082  }
0x22: {  	[simem:s7], [sflag:s8] =	dma.local @!p0 [hbm:s6], $0xF7A  }
0x23: {  	s9 =	sor.u32 $0xD0000000, s2;
	s6 =	simm.s32 $0x108;
	_ =	swait.ge @!p0 [sflag:s8], $0x0  }
0x24: {  	s3 =	sadd.s32 $0x88, s3;
	s6 =	simm.s32 @!p1 $0x1082;
	[sflag:s4] =	ssyncset.s32 $0xFFFFF086  }
0x25: {  	[simem:s6], [sflag:s4] =	dma.local [hbm:s3], $0xF7A  }
0x26: {  	[smem:$0x3F9B] =	sst s1;
	(tag) =	ssettag s2;
	_ =	strace s9  }
0x27: {  	s1 =	sld [smem:$0x3FAB]  }
0x28: {  	s2 =	sld [smem:$0x3FAC]  }
0x29: {  	s4 =	sld [smem:$0x3FAE]  }
0x2a: {  	p0 =	seq.s32 s5, $0x0;
	s5 =	sld [smem:$0x3FAF]  }
0x2b: {  	s6 =	sld [smem:$0x3FB0]  }
0x2c: {  	s7 =	sld [smem:$0x3FB1]  }
0x2d: {  	s3 =	simm.s32 $0x108;
	s8 =	sld [smem:$0x3FB2]  }
0x2e: {  	s3 =	simm.s32 @!p0 $0x1082;
	s9 =	sld [smem:$0x3FB3]  }
0x2f: {  	lr =	sadd.s32 s0, s3;
	s0 =	sld [smem:$0x3FAA]  }
0x30: {  	s3 =	sld [smem:$0x3FAD]  }
0x31: {  	[smem:$0x3FB6] =	sst s10  }
0x32: {  	s10 =	sld [smem:$0x3FB4];
	_ =	sdelay $0x3  }
0x33: {  	p0 =	seq.s32 s10, $0x1;
	s10 =	sld [smem:$0x3FB6];
	_ =	sdelay $0x3  }
0x34: {  	[smem:$0x3FB6] =	sst s10  }
0x35: {  	s10 =	sld [smem:$0x3FB5];
	_ =	sdelay $0x3  }
0x36: {  	p1 =	seq.s32 s10, $0x1;
	s10 =	sld [smem:$0x3FB6];
	_ =	sdelay $0x3  }
0x37: {  	[smem:$0x3FB6] =	sst s10  }
0x38: {  	s10 =	sld [smem:$0x3FB7]  }
0x39: {  	_ = 	snop;
	(pc) =	sbr.ind lr, $3  }
0x3a: {  	_ = 	snop  }
0x3b: {  	_ = 	snop  }
0x3c: {  	p2 =	seq.s32 s10, $0x1;
	s10 =	sld [smem:$0x3FB6]  }
0x3d: {  	_ =	shalt  }
0x3e: {  	_ =	shalt  }
0x3f: {  	_ =	shalt  }
0x40: {  	_ =	shalt  }
0x41: {  	_ =	shalt  }
0x42: {  	_ =	shalt  }
0x43: {  	_ =	shalt  }
0x44: {  	_ =	shalt  }
0x45: {  	_ =	shalt  }
0x46: {  	_ =	shalt  }
0x47: {  	_ =	shalt  }
0x48: {  	_ =	shalt  }
0x49: {  	_ =	shalt  }
0x4a: {  	_ =	shalt  }
0x4b: {  	_ =	shalt  }
0x4c: {  	_ =	shalt  }
0x4d: {  	_ =	shalt  }
0x4e: {  	_ =	shalt  }
0x4f: {  	_ =	shalt  }
0x50: {  	_ =	shalt  }
0x51: {  	_ =	shalt  }
0x52: {  	_ =	shalt  }
0x53: {  	_ =	shalt  }
0x54: {  	_ =	shalt  }
0x55: {  	_ =	shalt  }
0x56: {  	_ =	shalt  }
0x57: {  	_ =	shalt  }
0x58: {  	_ =	shalt  }
0x59: {  	_ =	shalt  }
0x5a: {  	_ =	shalt  }
0x5b: {  	_ =	shalt  }
0x5c: {  	_ =	shalt  }
0x5d: {  	_ =	shalt  }
0x5e: {  	_ =	shalt  }
0x5f: {  	_ =	shalt  }
0x60: {  	_ =	shalt  }
0x61: {  	_ =	shalt  }
0x62: {  	_ =	shalt  }
0x63: {  	_ =	shalt  }
0x64: {  	_ =	shalt  }
0x65: {  	_ =	shalt  }
0x66: {  	_ =	shalt  }
0x67: {  	_ =	shalt  }
0x68: {  	_ =	shalt  }
0x69: {  	_ =	shalt  }
0x6a: {  	_ =	shalt  }
0x6b: {  	_ =	shalt  }
0x6c: {  	_ =	shalt  }
0x6d: {  	_ =	shalt  }
0x6e: {  	_ =	shalt  }
0x6f: {  	_ =	shalt  }
0x70: {  	_ =	shalt  }
0x71: {  	_ =	shalt  }
0x72: {  	_ =	shalt  }
0x73: {  	_ =	shalt  }
0x74: {  	_ =	shalt  }
0x75: {  	_ =	shalt  }
0x76: {  	_ =	shalt  }
0x77: {  	_ =	shalt  }
0x78: {  	_ =	shalt  }
0x79: {  	_ =	shalt  }
0x7a: {  	_ =	shalt  }
0x7b: {  	_ =	shalt  }
0x7c: {  	_ =	shalt  }
0x7d: {  	_ =	shalt  }
0x7e: {  	_ =	shalt  }
0x7f: {  	_ =	shalt  }
0x80: {  	_ =	shalt  }
0x81: {  	_ =	shalt  }
0x82: {  	_ =	shalt  }
0x83: {  	_ =	shalt  }
0x84: {  	_ =	shalt  }
0x85: {  	_ =	shalt  }
0x86: {  	_ =	shalt  }
0x87: {  	_ =	shalt  }
.Lfunc_end0:
.L_simem_size_0:
called_computation.1_lowered:
.L_overlay_start_0:
0x88: {  	s2 =	sld [smem:$0x3FD9]  }
0x89: {  	s3 =	sld [smem:$0x3FFE];
	_ =	sdelay $0x1  }
0x8a: {  	s1 =	srdreg.scid  }
0x8b: {  	s0 =	sand.u32 $0x1, s1  }
0x8c: {  	s17 =	sshll.u32 s0, $0xA;
	s2 =	sadd.s32 s3, s2  }
0x8d: {  	s2 =	sadd.s32 s2, s17  }
0x8e: {  	[smem:$0x3FC2] =	sst s2  }
0x8f: {  	_ = 	snop  }
0x90: {  	s2 =	sld [smem:$0x3FD0];
	(tm) =	ssettm $0x1  }
0x91: {  	s18 =	sld [smem:$0x3FFB];
	_ =	sdelay $0x3  }
0x92: {  	_ =	strace s18  }
0x93: {  	s3 =	sld [smem:$0x3FFC];
	_ =	sdelay $0x3  }
0x94: {  	_ =	strace s3  }
0x95: {  	s3 =	sld [smem:$0x3FFD];
	_ =	sdelay $0x3  }
0x96: {  	_ =	strace s3  }
0x97: {  	_ =	strace $0x8FFFFFFF  }
0x98: {  	s19 =	sld [smem:$0x3FDB];
	_ =	sdelay $0x1  }
0x99: {  	s4 =	simm.s32 $_scs_section_size  }
0x9a: {  	s5 =	simm.s32 $_size__tile_overlayer_lowered;
	s6 =	simm.s32 $_tile_overlayer_lowered  }
0x9b: {  	s22 =	simm.s32 $0x1BFF;
	s21 =	sshll.u32 s6, $0x1;
	s3 =	sadd.s32 s4, s19  }
0x9c: {  	s7 =	simm.s32 $0x0;
	s20 =	sshll.u32 s5, $0x1;
	s5 =	sadd.s32 s21, s3  }
0x9d: {  	[timem:s7], [sflag:s22] =	dma.local [hbm:s5], s20  }
0x9e: {  	_ =	swait.ge [sflag:s22], s20  }
0x9f: {  	s4 =	ssub.s32 $0x0, s20;
	[sflag:s22] =	ssyncset.done $0x0  }
0xa0: {  	[sflag:s22] =	ssyncadd.s32 s4;
	_ =	sdelay $0x1  }
0xa1: {  	s23 =	simm.s32 $0x1B8B  }
0xa2: {  	_ =	swait.ge [sflag:s23], $0x1  }
0xa3: {  	[sflag:s23] =	ssyncset.done $0x0  }
0xa4: {  	s25 =	simm.s32 $0x1B8E;
	s24 =	sld [smem:$0x3FFE];
	[sflag:s23] =	ssyncadd.s32 $0xFFFFFFFF  }
0xa5: {  	s26 =	simm.s32 $execute0_lowered;
	[smem:$0x3FD2] =	sst s25  }
0xa6: {  	s5 =	sshll.u32 s26, $0x1;
	_ =	strace $0x80000049;
	[dreg:$0x1] =	wrdreg $0xFFFFFFFF  }
0xa7: {  	s28 =	simm.s32 $_size_execute0_lowered;
	s3 =	sadd.s32 s3, s5;
	[dreg:$0x0] =	wrdreg $0x0  }
0xa8: {  	s5 =	sshll.u32 s28, $0x1;
	[dreg:$0x2] =	wrdreg s3  }
0xa9: {  	[dreg:$0x3] =	wrdreg s5  }
0xaa: {  	[dreg:$0x4] =	wrdreg $0xC0  }
0xab: {  	_ =	task [dreg:s7], $0x5FFFF  }
0xac: {  	[dreg:$0x1] =	wrdreg $0xFFFFFFFF  }
0xad: {  	[dreg:$0x0] =	wrdreg $0x60  }
0xae: {  	[dreg:$0x2] =	wrdreg s24  }
0xaf: {  	[dreg:$0x3] =	wrdreg s2  }
0xb0: {  	[dreg:$0x4] =	wrdreg $0xA8000  }
0xb1: {  	[dreg:$0x5] =	wrdreg $0x9  }
0xb2: {  	_ =	task.clear_ibuf [dreg:s7], $0x6FFFF;
	_ =	strace $0x90000049  }
0xb3: {  	s29 =	simm.s32 $0x9;
	_ =	strace $0x8000004B  }
0xb4: {  	_ =	swait.ge [sflag:s29], $0x1  }
0xb5: {  	[sflag:s29] =	ssyncadd.s32 $0xFFFFFFFF  }
0xb6: {  	_ =	strace $0x9000004B  }
0xb7: {  	_ =	sfence  }
0xb8: {  	s30 =	sld [smem:$0x0];
	_ =	sdelay $0x2  }
0xb9: {  	s31 =	sshll.u32 s1, $0xD;
	s1 =	sshrl.u32 s1, $0x2  }
0xba: {  	s3 =	sand.u32 $0x4000, s31;
	s1 =	sadd.s32 s1, s30  }
0xbb: {  	s0 =	sor.u32 s3, s0;
	s1 =	sshll.u32 s1, $0x11  }
0xbc: {  	s0 =	sor.u32 s1, s0  }
0xbd: {  	s0 =	sadd.s32 $0x8F2B, s0  }
0xbe: {  	[sflag:s0] =	ssyncadd.remote.s32 $0x1  }
0xbf: {  	_ =	sfence.sel $0xFFFF  }
0xc0: {  	[dreg:$0x0] =	wrdreg $0xFFFFFFFF;
	(pc) =	sbr.abs _section_cstart, $3  }
0xc1: {  	[dreg:$0x1] =	wrdreg $0xFFFFFFFF  }
0xc2: {  	_ =	task.clear_ibuf [dreg:s7], $0x2FFFF;
	_ =	strace $0x9FFFFFFF  }
0xc3: {  	(tm) =	ssettm $0x7FFFFFFF  }
tec
execute0_lowered:
.L_overlay_start_1:
0x0: {  	(tag) =	ssettag $0x1  }
0x1: {  	s0 =	rddreg [dreg:$0x0]  }
0x2: {  	s2 =	rddreg [dreg:$0x1];
	s1 =	srdreg.scid  }
0x3: {  	s10 =	stileid.u32;
	s3 =	rddreg [dreg:$0x2]  }
0x4: {  	s4 =	simm.s32 $0x0;
	s29 =	simm.s32 $0x1;
	s30 =	simm.s32 $0x50  }
0x5: {  	s1 =	sand.u32 $0x1, s1;
	s6 =	smul.u32 $0x14000, s10;
	[smem:$0x7FF] =	sst s4  }
0x6: {  	s9 =	smul.u32 $0x50000, s10;
	s21 =	sshll.u32 s10, $0xF;
	s26 =	sshll.u32 s10, $0x6  }
0x7: {  	s5 =	smul.u32 $0x140000, s1;
	_ =	strace $0x8000004A;
	s8 =	ssub.s32 $0x2, s1  }
0x8: {  	s1 =	sshll.u32 s1, $0xE;
	s20 =	sshrl.u32 s8, $0x1;
	s22 =	sshrl.u32 s9, $0x2  }
0x9: {  	s23 =	sshrl.u32 s6, $0x3;
	s9 =	sor.u32 $0x1C04, s26;
	s7 =	sadd.s32 s6, s5  }
0xa: {  	s5 =	sadd.s32 $0x2C00, s0;
	s19 =	ssub.s32 s8, s20;
	s6 =	sor.u32 s1, s21  }
0xb: {  	s24 =	sadd.s32 s22, s3;
	s21 =	simm.s32 $0x4;
	s7 =	sshrl.u32 s7, $0x3  }
0xc: {  	s25 =	sadd.s32 s5, s23;
	s8 =	sor.u32 $0x80000, s6;
	s28 =	sshrl.u32 s6, $0x3  }
0xd: {  	s19 =	smax.u32 s19, $0x1;
	s20 =	sshrl.u32 s24, $0x3;
	s23 =	simm.s32 $0x100  }
.Ltmp0:
0xe: {  	s0 =	sadd.s32 s7, s0;
	s11 =	sshrl.u32 s8, $0x3;
	(pc) =	sbr.rel .LBB2_1-.Ltmp0, $4  }
0xf: {  	[dreg:$0x4] =	wrdreg s25;
	s10 =	sadd.s32 s2, s28;
	s31 =	sadd.s32 s2, s11  }
0x10: {  	s12 =	sadd.s32 $0x10, s10;
	s13 =	sadd.s32 $0x10010, s10;
	s14 =	sadd.s32 $0x20, s10  }
0x11: {  	s15 =	sadd.s32 $0x10020, s10;
	s16 =	sadd.s32 $0x30, s10;
	s17 =	sadd.s32 $0x10030, s10  }
0x12: {  	s18 =	sadd.s32 $0x2AC00, s0;
	s0 =	simm.s32 $0x0;
	[dreg:$0x5] =	wrdreg s31  }
.LBB2_5:
0x13: {  	s0 =	sadd.s32 $0x1, s0  }
0x14: {  	p0 =	sne.s32 s0, s19  }
.Ltmp1:
0x15: {  	[bflag:$0x0] =	sbarrier.arrive $0xFFFF;
	(pc) =	sbr.rel @!p0 .LBB2_6-.Ltmp1, $4  }
0x16: {  	[hbm:s18], [sflag:s9] =	dma.local [spmem:s20], $0x2800  }
0x17: {  	_ =	swait.ge [sflag:s21], $0x2800  }
0x18: {  	[sflag:s21] =	ssyncset.done $0x0  }
0x19: {  	[sflag:s21] =	ssyncadd.s32 $0xFFFFD800  }
.LBB2_1:
0x1a: {  	s1 =	rddreg [dreg:$0x4]  }
0x1b: {  	[spmem:s20], [sflag:s9] =	dma.local [hbm:s1], $0x2800  }
0x1c: {  	_ =	swait.ge [sflag:s21], $0x2800  }
0x1d: {  	[sflag:s21] =	ssyncset.done $0x0  }
0x1e: {  	[sflag:s21] =	ssyncadd.s32 $0xFFFFD800  }
0x1f: {  	[bflag:$0x0] =	sbarrier.arrive $0xFFFF  }
0x20: {  	[tilespmem:s4], [sflag:$0x1] =	stream.linear.gather [hbm4b:s10+s4], $0x80, $0x38;
	[tilespmem:$0x1E800] =	vst v63  }
0x21: {  	s7 =	simm.s32 $0x80;
	s11 =	rddreg [dreg:$0x5]  }
0x22: {  	[tilespmem:s7], [sflag:$0x1] =	stream.linear.gather [hbm4b:s11+s4], $0x80, $0x38;
	[tilespmem:$0x1E800] =	vst v63  }
0x23: {  	_ = 	snop  }
0x24: {  	[tilespmem:s23], [sflag:$0x1] =	stream.linear.gather [hbm4b:s12+s4], $0x80, $0x38;
	[tilespmem:$0x1E800] =	vst v63  }
0x25: {  	s22 =	simm.s32 $0x180  }
0x26: {  	[tilespmem:s22], [sflag:$0x1] =	stream.linear.gather [hbm4b:s13+s4], $0x80, $0x38;
	[tilespmem:$0x1E800] =	vst v63  }
0x27: {  	s22 =	simm.s32 $0x200  }
0x28: {  	[tilespmem:s22], [sflag:$0x1] =	stream.linear.gather [hbm4b:s14+s4], $0x80, $0x38;
	[tilespmem:$0x1E800] =	vst v63  }
0x29: {  	s24 =	simm.s32 $0x280  }
0x2a: {  	[tilespmem:s24], [sflag:$0x1] =	stream.linear.gather [hbm4b:s15+s4], $0x80, $0x38;
	[tilespmem:$0x1E800] =	vst v63  }
0x2b: {  	s25 =	simm.s32 $0x300  }
0x2c: {  	[tilespmem:s25], [sflag:$0x1] =	stream.linear.gather [hbm4b:s16+s4], $0x80, $0x38;
	[tilespmem:$0x1E800] =	vst v63  }
0x2d: {  	s26 =	simm.s32 $0x380  }
0x2e: {  	[tilespmem:s26], [sflag:$0x1] =	stream.linear.gather [hbm4b:s17+s4], $0x80, $0x38;
	[tilespmem:$0x1E800] =	vst v63  }
0x2f: {  	_ =	swait.ge [sflag:s29], $0x80  }
0x30: {  	[sflag:s29] =	ssyncset.done $0x0  }
0x31: {  	[sflag:s29] =	ssyncadd.s32 $0xFFFFFF80  }
0x32: {  	_ =	swait.ge [sflag:s29], $0x80  }
0x33: {  	[sflag:s29] =	ssyncset.done $0x0  }
0x34: {  	s28 =	simm.s32 $0x800;
	[sflag:s29] =	ssyncadd.s32 $0xFFFFFF80  }
0x35: {  	[tilespmem:s28], [sflag:$0x2] =	stream.indirect.gather [hbm4b:s5+s30], $0x80, s4, s30, $0xb8;
	[tilespmem:$0x1E800] =	vst v63  }
0x36: {  	_ =	swait.ge [sflag:s29], $0x80  }
0x37: {  	[sflag:s29] =	ssyncset.done $0x0  }
.Ltmp2:
0x38: {  	[sflag:s29] =	ssyncadd.s32 $0xFFFFFF80;
	(pc) =	sbr.rel .LBB2_2-.Ltmp2, $4  }
0x39: {  	_ =	swait.ge [sflag:s29], $0x80  }
0x3a: {  	s31 =	simm.s32 $0x3000;
	s24 =	simm.s32 $0x400;
	[sflag:s29] =	ssyncset.done $0x0  }
0x3b: {  	s25 =	simm.s32 $0x0;
	s26 =	simm.s32 $0x0;
	[sflag:s29] =	ssyncadd.s32 $0xFFFFFF80  }
0x3c: {  	[tilespmem:s31], [sflag:$0x2] =	stream.indirect.gather [hbm4b:s5+s30], $0x80, s23, s30, $0xb8;
	[tilespmem:$0x1E800] =	vst v63  }
.LBB2_4:
0x3d: {  	s26 =	sadd.s32 $0x1, s26  }
0x3e: {  	p0 =	sne.s32 s26, $0x7F  }
.Ltmp3:
0x3f: {  	_ = 	snop;
	(pc) =	sbr.rel @!p0 .LBB2_5-.Ltmp3, $2  }
0x40: {  	_ =	sdelay $0x2  }
0x41: {  	s24 =	sadd.s32 $0x100, s24;
	s22 =	sadd.s32 $0x80, s22;
	s25 =	sadd.s32 $0x400, s25  }
.LBB2_2:
0x42: {  	p0 =	sgt.u32 s26, $0x7C  }
0x43: {  	s28 =	sand.u32 @!p0 $0x3, s26  }
0x44: {  	s31 =	simm.s32 @!p0 $0x2;
	s1 =	sand.u32 @!p0 $0x1C00, s25;
	s28 =	smul.u32 @!p0 $0xA000, s28  }
0x45: {  	p1 =	slt.u32 @!p0 s26, $0x2;
	_ =	swait.ge @!p0 [sflag:s31], $0x2800;
	s1 =	sshrl.u32 @!p0 s1, $0x2  }
0x46: {  	[sflag:s31] =	ssyncset.done @!p0 $0x0;
	s1 =	sor.u32 @!p0 $0x80, s1;
	s28 =	sshrl.u32 @!p0 s28, $0x2  }
0x47: {  	[sflag:s31] =	ssyncadd.s32 @!p0 $0xFFFFD800;
	s31 =	simm.s32 @!p0 $0x50;
	s28 =	sadd.s32 @!p0 $0x800, s28  }
0x48: {  	[spmem:s3] =	stream.indirect.scatter.add.f32 @!p0 [tilespmem:s28], [sflag:$0x3], $0x80, s1, s31, $0xb8;
	[tilespmem:$0x1E800] =	vst v63  }
0x49: {  	p0 =	por p0, !p1  }
0x4a: {  	p1 =	sgt.u32 @p0 s26, $0x7A  }
0x4b: {  	p1 =	por !p0, !p1  }
.Ltmp4:
0x4c: {  	_ = 	snop;
	(pc) =	sbr.rel @!p1 .LBB2_4-.Ltmp4, $4  }
0x4d: {  	s1 =	simm.s32 @p0 $0x3  }
0x4e: {  	_ =	swait.ge @p0 [sflag:s1], $0x2800  }
0x4f: {  	[sflag:s1] =	ssyncset.done @p0 $0x0  }
0x50: {  	[sflag:s1] =	ssyncadd.s32 @p0 $0xFFFFD800  }
0x51: {  	s1 =	sadd.s32 $0x2, s26;
	_ =	swait.ge [sflag:s29], $0x80  }
0x52: {  	[sflag:s29] =	ssyncset.done $0x0;
	s1 =	sand.u32 $0x3, s1  }
0x53: {  	[sflag:s29] =	ssyncadd.s32 $0xFFFFFF80;
	s1 =	smul.u32 $0xA000, s1  }
0x54: {  	s28 =	sadd.s32 $0x800, s25;
	p0 =	sgt.u32 s26, $0x78;
	_ =	swait.ge [sflag:s29], $0x80  }
0x55: {  	s28 =	sand.u32 $0x1C00, s28;
	[sflag:s29] =	ssyncset.done $0x0;
	s1 =	sshrl.u32 s1, $0x2  }
0x56: {  	s28 =	sshrl.u32 s28, $0x2;
	[sflag:s29] =	ssyncadd.s32 $0xFFFFFF80;
	s1 =	sadd.s32 $0x800, s1  }
0x57: {  	[tilespmem:s1], [sflag:$0x2] =	stream.indirect.gather [hbm4b:s5+s30], $0x80, s28, s30, $0xb8;
	[tilespmem:$0x1E800] =	vst v63  }
0x58: {  	s1 =	sand.u32 @!p0 $0x7C00, s22  }
0x59: {  	s31 =	sand.u32 @!p0 $0x380, s22;
	s28 =	sadd.s32 @!p0 s6, s1  }
0x5a: {  	s7 =	sand.u32 @!p0 $0x700, s24;
	s1 =	sadd.s32 @!p0 s8, s1;
	s28 =	sor.u32 @!p0 s31, s28  }
.Ltmp5:
0x5b: {  	s1 =	sor.u32 @!p0 s31, s1;
	s28 =	sshrl.u32 @!p0 s28, $0x3;
	(pc) =	sbr.rel .LBB2_4-.Ltmp5, $4  }
0x5c: {  	s11 =	simm.s32 @!p0 $0x0;
	s1 =	sshrl.u32 @!p0 s1, $0x3;
	s28 =	sadd.s32 @!p0 s2, s28  }
0x5d: {  	[tilespmem:s7], [sflag:$0x1] =	stream.linear.gather @!p0 [hbm4b:s28+s11], $0x80, $0x38;
	[tilespmem:$0x1E800] =	vst v63  }
0x5e: {  	s1 =	sadd.s32 @!p0 s2, s1;
	s7 =	sor.u32 @!p0 $0x80, s7  }
0x5f: {  	[tilespmem:s7], [sflag:$0x1] =	stream.linear.gather @!p0 [hbm4b:s1+s11], $0x80, $0x38;
	[tilespmem:$0x1E800] =	vst v63  }
.LBB2_6:
0x60: {  	_ =	sfence.sel $0x180000  }
0x61: {  	[bflag:$0x0] =	sbarrier.arrive $0xFFFF  }
0x62: {  	_ =	strace $0x9000004A  }
0x63: {  	s0 =	stileid.u32;
	[bflag:$0x2] =	sbarrier.arrive $0xFFFF  }
0x64: {  	p0 =	sne.s32 s0, $0x0;
	s0 =	rddreg [dreg:$0x3]  }
0x65: {  	s0 =	sadd.s32 @!p0 $0x100000, s0  }
0x66: {  	[sflag:s0] =	ssyncadd.tile.s32 @!p0 $0x1;
	_ =	shalt  }
.Lfunc_end2:
_tile_overlayer_lowered:
.L_overlay_start_2:
0x67: {  	(tag) =	ssettag $0x2  }
0x68: {  	s0 =	rddreg [dreg:$0x0];
	s2 =	stileid.u32  }
0x69: {  	s1 =	rddreg [dreg:$0x1];
	p0 =	sne.s32 s2, $0x0  }
0x6a: {  	s3 =	rddreg [dreg:$0x2];
	[bflag:$0x3] =	sbarrier.arrive $0xFFFF;
	s2 =	simm.s32 @!p0 $0x1C04  }
0x6b: {  	[timem:s3], [sflag:s2] =	dma.local @!p0 [hbm:s0], s1  }
0x6c: {  	s0 =	simm.s32 @!p0 $0x4  }
0x6d: {  	_ =	swait.ge @!p0 [sflag:s0], s1  }
0x6e: {  	s1 =	ssub.s32 @!p0 $0x0, s1;
	[sflag:s0] =	ssyncset.done @!p0 $0x0  }
0x6f: {  	[sflag:s0] =	ssyncadd.s32 @!p0 s1  }
0x70: {  	[bflag:$0x3] =	sbarrier.arrive $0xFFFF  }
0x71: {  	_ =	shalt  }

// kernel: kernel.14.cloned.1.call-start
scs
__scs_entry_jumppad:
0x0: {  	(pc) =	sbr.rel $0x88, $3  }
0x1: {  	(tag) =	ssettag $0x0;
	lr =	simm.s32 $0x1  }
0x2: {  	[smem:$0x3F9B] =	sst lr;
	_ =	strace $0xD0000000  }
0x3: {  	_ = 	snop  }
0x4: {  	_ = 	snop  }
0x5: {  	_ = 	snop  }
0x6: {  	_ = 	snop  }
0x7: {  	_ = 	snop  }
__scs_overlays_trampoline_lowered:
0x8: {  	[smem:$0x3FAA] =	sst s0  }
0x9: {  	[smem:$0x3FAB] =	sst s1  }
0xa: {  	[smem:$0x3FAC] =	sst s2  }
0xb: {  	[smem:$0x3FAD] =	sst s3  }
0xc: {  	[smem:$0x3FAE] =	sst s4  }
0xd: {  	[smem:$0x3FAF] =	sst s5  }
0xe: {  	[smem:$0x3FB0] =	sst s6  }
0xf: {  	[smem:$0x3FB1] =	sst s7  }
0x10: {  	[smem:$0x3FB2] =	sst s8  }
0x11: {  	[smem:$0x3FB3] =	sst s9;
	s0 =	simm.s32 @!p0 $0x0  }
0x12: {  	s1 =	sld [smem:$0x3F99];
	s0 =	simm.s32 @p0 $0x1  }
0x13: {  	[smem:$0x3FB4] =	sst s0;
	s0 =	simm.s32 @!p1 $0x0  }
0x14: {  	s2 =	sld [smem:$0x3F98];
	s0 =	simm.s32 @p1 $0x1  }
0x15: {  	[smem:$0x3FB5] =	sst s0;
	s0 =	simm.s32 @!p2 $0x0  }
0x16: {  	s3 =	sld [smem:$0x3FDB];
	s0 =	simm.s32 @p2 $0x1  }
0x17: {  	s4 =	simm.s32 $0x1BF5;
	[smem:$0x3FB7] =	sst s0  }
0x18: {  	s0 =	sld [smem:$0x3F9A];
	_ =	swait.ge [sflag:s4], $0x0  }
0x19: {  	s7 =	sld [smem:$0x3F9B]  }
0x1a: {  	s8 =	sadd.s32 $0xFFFFE003, lr  }
0x1b: {  	s9 =	sadd.s32 $0xFFFFFEF7, lr;
	s5 =	simm.s32 $0xFFFFFFFF;
	p2 =	slt.u32 s8, $0xFFFFF086  }
0x1c: {  	p1 =	slt.u32 s9, $0xF7A;
	s5 =	simm.s32 @!p2 $0x0  }
0x1d: {  	s5 =	simm.s32 @p1 $0x1;
	p0 =	seq.s32 s7, s2  }
0x1e: {  	s7 =	smul.u32 @!p0 $0xF7A, s2;
	p2 =	seq.s32 @!p0 s5, $0x0  }
0x1f: {  	s9 =	smul.u32 $0xF7A, s1;
	s8 =	simm.s32 @!p0 $0x1BF5;
	p2 =	por !p2, p0  }
0x20: {  	[sflag:s8] =	ssyncset.s32 @!p0 $0xFFFFF086;
	s6 =	sadd.s32 @!p0 s3, s7;
	s7 =	simm.s32 @!p0 $0x108  }
0x21: {  	s3 =	sadd.s32 s3, s9;
	s6 =	sadd.s32 @!p0 $0x88, s6;
	s7 =	simm.s32 @p2 $0x1082  }
0x22: {  	[simem:s7], [sflag:s8] =	dma.local @!p0 [hbm:s6], $0xF7A  }
0x23: {  	s9 =	sor.u32 $0xD0000000, s2;
	s6 =	simm.s32 $0x108;
	_ =	swait.ge @!p0 [sflag:s8], $0x0  }
0x24: {  	s3 =	sadd.s32 $0x88, s3;
	s6 =	simm.s32 @!p1 $0x1082;
	[sflag:s4] =	ssyncset.s32 $0xFFFFF086  }
0x25: {  	[simem:s6], [sflag:s4] =	dma.local [hbm:s3], $0xF7A  }
0x26: {  	[smem:$0x3F9B] =	sst s1;
	(tag) =	ssettag s2;
	_ =	strace s9  }
0x27: {  	s1 =	sld [smem:$0x3FAB]  }
0x28: {  	s2 =	sld [smem:$0x3FAC]  }
0x29: {  	s4 =	sld [smem:$0x3FAE]  }
0x2a: {  	p0 =	seq.s32 s5, $0x0;
	s5 =	sld [smem:$0x3FAF]  }
0x2b: {  	s6 =	sld [smem:$0x3FB0]  }
0x2c: {  	s7 =	sld [smem:$0x3FB1]  }
0x2d: {  	s3 =	simm.s32 $0x108;
	s8 =	sld [smem:$0x3FB2]  }
0x2e: {  	s3 =	simm.s32 @!p0 $0x1082;
	s9 =	sld [smem:$0x3FB3]  }
0x2f: {  	lr =	sadd.s32 s0, s3;
	s0 =	sld [smem:$0x3FAA]  }
0x30: {  	s3 =	sld [smem:$0x3FAD]  }
0x31: {  	[smem:$0x3FB6] =	sst s10  }
0x32: {  	s10 =	sld [smem:$0x3FB4];
	_ =	sdelay $0x3  }
0x33: {  	p0 =	seq.s32 s10, $0x1;
	s10 =	sld [smem:$0x3FB6];
	_ =	sdelay $0x3  }
0x34: {  	[smem:$0x3FB6] =	sst s10  }
0x35: {  	s10 =	sld [smem:$0x3FB5];
	_ =	sdelay $0x3  }
0x36: {  	p1 =	seq.s32 s10, $0x1;
	s10 =	sld [smem:$0x3FB6];
	_ =	sdelay $0x3  }
0x37: {  	[smem:$0x3FB6] =	sst s10  }
0x38: {  	s10 =	sld [smem:$0x3FB7]  }
0x39: {  	_ = 	snop;
	(pc) =	sbr.ind lr, $3  }
0x3a: {  	_ = 	snop  }
0x3b: {  	_ = 	snop  }
0x3c: {  	p2 =	seq.s32 s10, $0x1;
	s10 =	sld [smem:$0x3FB6]  }
0x3d: {  	_ =	shalt  }
0x3e: {  	_ =	shalt  }
0x3f: {  	_ =	shalt  }
0x40: {  	_ =	shalt  }
0x41: {  	_ =	shalt  }
0x42: {  	_ =	shalt  }
0x43: {  	_ =	shalt  }
0x44: {  	_ =	shalt  }
0x45: {  	_ =	shalt  }
0x46: {  	_ =	shalt  }
0x47: {  	_ =	shalt  }
0x48: {  	_ =	shalt  }
0x49: {  	_ =	shalt  }
0x4a: {  	_ =	shalt  }
0x4b: {  	_ =	shalt  }
0x4c: {  	_ =	shalt  }
0x4d: {  	_ =	shalt  }
0x4e: {  	_ =	shalt  }
0x4f: {  	_ =	shalt  }
0x50: {  	_ =	shalt  }
0x51: {  	_ =	shalt  }
0x52: {  	_ =	shalt  }
0x53: {  	_ =	shalt  }
0x54: {  	_ =	shalt  }
0x55: {  	_ =	shalt  }
0x56: {  	_ =	shalt  }
0x57: {  	_ =	shalt  }
0x58: {  	_ =	shalt  }
0x59: {  	_ =	shalt  }
0x5a: {  	_ =	shalt  }
0x5b: {  	_ =	shalt  }
0x5c: {  	_ =	shalt  }
0x5d: {  	_ =	shalt  }
0x5e: {  	_ =	shalt  }
0x5f: {  	_ =	shalt  }
0x60: {  	_ =	shalt  }
0x61: {  	_ =	shalt  }
0x62: {  	_ =	shalt  }
0x63: {  	_ =	shalt  }
0x64: {  	_ =	shalt  }
0x65: {  	_ =	shalt  }
0x66: {  	_ =	shalt  }
0x67: {  	_ =	shalt  }
0x68: {  	_ =	shalt  }
0x69: {  	_ =	shalt  }
0x6a: {  	_ =	shalt  }
0x6b: {  	_ =	shalt  }
0x6c: {  	_ =	shalt  }
0x6d: {  	_ =	shalt  }
0x6e: {  	_ =	shalt  }
0x6f: {  	_ =	shalt  }
0x70: {  	_ =	shalt  }
0x71: {  	_ =	shalt  }
0x72: {  	_ =	shalt  }
0x73: {  	_ =	shalt  }
0x74: {  	_ =	shalt  }
0x75: {  	_ =	shalt  }
0x76: {  	_ =	shalt  }
0x77: {  	_ =	shalt  }
0x78: {  	_ =	shalt  }
0x79: {  	_ =	shalt  }
0x7a: {  	_ =	shalt  }
0x7b: {  	_ =	shalt  }
0x7c: {  	_ =	shalt  }
0x7d: {  	_ =	shalt  }
0x7e: {  	_ =	shalt  }
0x7f: {  	_ =	shalt  }
0x80: {  	_ =	shalt  }
0x81: {  	_ =	shalt  }
0x82: {  	_ =	shalt  }
0x83: {  	_ =	shalt  }
0x84: {  	_ =	shalt  }
0x85: {  	_ =	shalt  }
0x86: {  	_ =	shalt  }
0x87: {  	_ =	shalt  }
.Lfunc_end0:
.L_simem_size_0:
called_computation.2_lowered:
.L_overlay_start_0:
0x88: {  	s2 =	sld [smem:$0x3FD9]  }
0x89: {  	s3 =	sld [smem:$0x3FFE];
	_ =	sdelay $0x1  }
0x8a: {  	s1 =	srdreg.scid  }
0x8b: {  	s0 =	sand.u32 $0x1, s1  }
0x8c: {  	s17 =	sshll.u32 s0, $0xA;
	s2 =	sadd.s32 s3, s2  }
0x8d: {  	s2 =	sadd.s32 s2, s17  }
0x8e: {  	[smem:$0x3FC2] =	sst s2  }
0x8f: {  	_ = 	snop  }
0x90: {  	s2 =	sld [smem:$0x3FD0];
	(tm) =	ssettm $0x1  }
0x91: {  	s18 =	sld [smem:$0x3FFB];
	_ =	sdelay $0x3  }
0x92: {  	_ =	strace s18  }
0x93: {  	s3 =	sld [smem:$0x3FFC];
	_ =	sdelay $0x3  }
0x94: {  	_ =	strace s3  }
0x95: {  	s3 =	sld [smem:$0x3FFD];
	_ =	sdelay $0x3  }
0x96: {  	_ =	strace s3  }
0x97: {  	_ =	strace $0x8FFFFFFF  }
0x98: {  	s19 =	sld [smem:$0x3FDB];
	_ =	sdelay $0x1  }
0x99: {  	s4 =	simm.s32 $_scs_section_size  }
0x9a: {  	s5 =	simm.s32 $_size__tile_overlayer_lowered;
	s6 =	simm.s32 $_tile_overlayer_lowered  }
0x9b: {  	s22 =	simm.s32 $0x1BFF;
	s21 =	sshll.u32 s6, $0x1;
	s3 =	sadd.s32 s4, s19  }
0x9c: {  	s7 =	simm.s32 $0x0;
	s20 =	sshll.u32 s5, $0x1;
	s5 =	sadd.s32 s21, s3  }
0x9d: {  	[timem:s7], [sflag:s22] =	dma.local [hbm:s5], s20  }
0x9e: {  	_ =	swait.ge [sflag:s22], s20  }
0x9f: {  	s4 =	ssub.s32 $0x0, s20;
	[sflag:s22] =	ssyncset.done $0x0  }
0xa0: {  	[sflag:s22] =	ssyncadd.s32 s4;
	_ =	sdelay $0x1  }
0xa1: {  	s23 =	simm.s32 $0x1B8B  }
0xa2: {  	_ =	swait.ge [sflag:s23], $0x1  }
0xa3: {  	[sflag:s23] =	ssyncset.done $0x0  }
0xa4: {  	s25 =	simm.s32 $0x1B8E;
	s24 =	sld [smem:$0x3FFE];
	[sflag:s23] =	ssyncadd.s32 $0xFFFFFFFF  }
0xa5: {  	s26 =	simm.s32 $execute0_lowered;
	[smem:$0x3FD2] =	sst s25  }
0xa6: {  	s5 =	sshll.u32 s26, $0x1;
	_ =	strace $0x8000004C;
	[dreg:$0x1] =	wrdreg $0xFFFFFFFF  }
0xa7: {  	s28 =	simm.s32 $_size_execute0_lowered;
	s3 =	sadd.s32 s3, s5;
	[dreg:$0x0] =	wrdreg $0x0  }
0xa8: {  	s5 =	sshll.u32 s28, $0x1;
	[dreg:$0x2] =	wrdreg s3  }
0xa9: {  	[dreg:$0x3] =	wrdreg s5  }
0xaa: {  	[dreg:$0x4] =	wrdreg $0xC0  }
0xab: {  	_ =	task [dreg:s7], $0x5FFFF  }
0xac: {  	[dreg:$0x1] =	wrdreg $0xFFFFFFFF  }
0xad: {  	[dreg:$0x0] =	wrdreg $0x60  }
0xae: {  	[dreg:$0x2] =	wrdreg s24  }
0xaf: {  	[dreg:$0x3] =	wrdreg s2  }
0xb0: {  	[dreg:$0x4] =	wrdreg $0xA8000  }
0xb1: {  	[dreg:$0x5] =	wrdreg $0x9  }
0xb2: {  	_ =	task.clear_ibuf [dreg:s7], $0x6FFFF;
	_ =	strace $0x9000004C  }
0xb3: {  	s29 =	simm.s32 $0x9;
	_ =	strace $0x8000004E  }
0xb4: {  	_ =	swait.ge [sflag:s29], $0x1  }
0xb5: {  	[sflag:s29] =	ssyncadd.s32 $0xFFFFFFFF  }
0xb6: {  	_ =	strace $0x9000004E  }
0xb7: {  	_ =	sfence  }
0xb8: {  	s30 =	sld [smem:$0x0];
	_ =	sdelay $0x2  }
0xb9: {  	s31 =	sshll.u32 s1, $0xD;
	s1 =	sshrl.u32 s1, $0x2  }
0xba: {  	s3 =	sand.u32 $0x4000, s31;
	s1 =	sadd.s32 s1, s30  }
0xbb: {  	s0 =	sor.u32 s3, s0;
	s1 =	sshll.u32 s1, $0x11  }
0xbc: {  	s0 =	sor.u32 s1, s0  }
0xbd: {  	s0 =	sadd.s32 $0x8F2B, s0  }
0xbe: {  	[sflag:s0] =	ssyncadd.remote.s32 $0x1  }
0xbf: {  	_ =	sfence.sel $0xFFFF  }
0xc0: {  	[dreg:$0x0] =	wrdreg $0xFFFFFFFF;
	(pc) =	sbr.abs _section_cstart, $3  }
0xc1: {  	[dreg:$0x1] =	wrdreg $0xFFFFFFFF  }
0xc2: {  	_ =	task.clear_ibuf [dreg:s7], $0x2FFFF;
	_ =	strace $0x9FFFFFFF  }
0xc3: {  	(tm) =	ssettm $0x7FFFFFFF  }
tec
execute0_lowered:
.L_overlay_start_1:
0x0: {  	(tag) =	ssettag $0x1  }
0x1: {  	s0 =	rddreg [dreg:$0x0]  }
0x2: {  	s2 =	rddreg [dreg:$0x1];
	s1 =	srdreg.scid  }
0x3: {  	s10 =	stileid.u32;
	s3 =	rddreg [dreg:$0x2]  }
0x4: {  	s4 =	simm.s32 $0x0;
	s29 =	simm.s32 $0x1;
	s30 =	simm.s32 $0x50  }
0x5: {  	s1 =	sand.u32 $0x1, s1;
	s6 =	smul.u32 $0x14000, s10;
	[smem:$0x7FF] =	sst s4  }
0x6: {  	s9 =	smul.u32 $0x50000, s10;
	s21 =	sshll.u32 s10, $0xF;
	s26 =	sshll.u32 s10, $0x6  }
0x7: {  	s5 =	smul.u32 $0x140000, s1;
	_ =	strace $0x8000004D;
	s8 =	ssub.s32 $0x2, s1  }
0x8: {  	s1 =	sshll.u32 s1, $0xE;
	s20 =	sshrl.u32 s8, $0x1;
	s22 =	sshrl.u32 s9, $0x2  }
0x9: {  	s23 =	sshrl.u32 s6, $0x3;
	s9 =	sor.u32 $0x1C04, s26;
	s7 =	sadd.s32 s6, s5  }
0xa: {  	s5 =	sadd.s32 $0x2C00, s0;
	s19 =	ssub.s32 s8, s20;
	s6 =	sor.u32 s1, s21  }
0xb: {  	s24 =	sadd.s32 s22, s3;
	s21 =	simm.s32 $0x4;
	s7 =	sshrl.u32 s7, $0x3  }
0xc: {  	s25 =	sadd.s32 s5, s23;
	s8 =	sor.u32 $0x80000, s6;
	s28 =	sshrl.u32 s6, $0x3  }
0xd: {  	s19 =	smax.u32 s19, $0x1;
	s20 =	sshrl.u32 s24, $0x3;
	s23 =	simm.s32 $0x100  }
.Ltmp0:
0xe: {  	s0 =	sadd.s32 s7, s0;
	s11 =	sshrl.u32 s8, $0x3;
	(pc) =	sbr.rel .LBB2_1-.Ltmp0, $4  }
0xf: {  	[dreg:$0x4] =	wrdreg s25;
	s10 =	sadd.s32 s2, s28;
	s31 =	sadd.s32 s2, s11  }
0x10: {  	s12 =	sadd.s32 $0x10, s10;
	s13 =	sadd.s32 $0x10010, s10;
	s14 =	sadd.s32 $0x20, s10  }
0x11: {  	s15 =	sadd.s32 $0x10020, s10;
	s16 =	sadd.s32 $0x30, s10;
	s17 =	sadd.s32 $0x10030, s10  }
0x12: {  	s18 =	sadd.s32 $0x2AC00, s0;
	s0 =	simm.s32 $0x0;
	[dreg:$0x5] =	wrdreg s31  }
.LBB2_5:
0x13: {  	s0 =	sadd.s32 $0x1, s0  }
0x14: {  	p0 =	sne.s32 s0, s19  }
.Ltmp1:
0x15: {  	[bflag:$0x0] =	sbarrier.arrive $0xFFFF;
	(pc) =	sbr.rel @!p0 .LBB2_6-.Ltmp1, $4  }
0x16: {  	[hbm:s18], [sflag:s9] =	dma.local [spmem:s20], $0x2800  }
0x17: {  	_ =	swait.ge [sflag:s21], $0x2800  }
0x18: {  	[sflag:s21] =	ssyncset.done $0x0  }
0x19: {  	[sflag:s21] =	ssyncadd.s32 $0xFFFFD800  }
.LBB2_1:
0x1a: {  	s1 =	rddreg [dreg:$0x4]  }
0x1b: {  	[spmem:s20], [sflag:s9] =	dma.local [hbm:s1], $0x2800  }
0x1c: {  	_ =	swait.ge [sflag:s21], $0x2800  }
0x1d: {  	[sflag:s21] =	ssyncset.done $0x0  }
0x1e: {  	[sflag:s21] =	ssyncadd.s32 $0xFFFFD800  }
0x1f: {  	[bflag:$0x0] =	sbarrier.arrive $0xFFFF  }
0x20: {  	[tilespmem:s4], [sflag:$0x1] =	stream.linear.gather [hbm4b:s10+s4], $0x80, $0x38;
	[tilespmem:$0x1E800] =	vst v63  }
0x21: {  	s7 =	simm.s32 $0x80;
	s11 =	rddreg [dreg:$0x5]  }
0x22: {  	[tilespmem:s7], [sflag:$0x1] =	stream.linear.gather [hbm4b:s11+s4], $0x80, $0x38;
	[tilespmem:$0x1E800] =	vst v63  }
0x23: {  	_ = 	snop  }
0x24: {  	[tilespmem:s23], [sflag:$0x1] =	stream.linear.gather [hbm4b:s12+s4], $0x80, $0x38;
	[tilespmem:$0x1E800] =	vst v63  }
0x25: {  	s22 =	simm.s32 $0x180  }
0x26: {  	[tilespmem:s22], [sflag:$0x1] =	stream.linear.gather [hbm4b:s13+s4], $0x80, $0x38;
	[tilespmem:$0x1E800] =	vst v63  }
0x27: {  	s22 =	simm.s32 $0x200  }
0x28: {  	[tilespmem:s22], [sflag:$0x1] =	stream.linear.gather [hbm4b:s14+s4], $0x80, $0x38;
	[tilespmem:$0x1E800] =	vst v63  }
0x29: {  	s24 =	simm.s32 $0x280  }
0x2a: {  	[tilespmem:s24], [sflag:$0x1] =	stream.linear.gather [hbm4b:s15+s4], $0x80, $0x38;
	[tilespmem:$0x1E800] =	vst v63  }
0x2b: {  	s25 =	simm.s32 $0x300  }
0x2c: {  	[tilespmem:s25], [sflag:$0x1] =	stream.linear.gather [hbm4b:s16+s4], $0x80, $0x38;
	[tilespmem:$0x1E800] =	vst v63  }
0x2d: {  	s26 =	simm.s32 $0x380  }
0x2e: {  	[tilespmem:s26], [sflag:$0x1] =	stream.linear.gather [hbm4b:s17+s4], $0x80, $0x38;
	[tilespmem:$0x1E800] =	vst v63  }
0x2f: {  	_ =	swait.ge [sflag:s29], $0x80  }
0x30: {  	[sflag:s29] =	ssyncset.done $0x0  }
0x31: {  	[sflag:s29] =	ssyncadd.s32 $0xFFFFFF80  }
0x32: {  	_ =	swait.ge [sflag:s29], $0x80  }
0x33: {  	[sflag:s29] =	ssyncset.done $0x0  }
0x34: {  	s28 =	simm.s32 $0x800;
	[sflag:s29] =	ssyncadd.s32 $0xFFFFFF80  }
0x35: {  	[tilespmem:s28], [sflag:$0x2] =	stream.indirect.gather [hbm4b:s5+s30], $0x80, s4, s30, $0xb8;
	[tilespmem:$0x1E800] =	vst v63  }
0x36: {  	_ =	swait.ge [sflag:s29], $0x80  }
0x37: {  	[sflag:s29] =	ssyncset.done $0x0  }
.Ltmp2:
0x38: {  	[sflag:s29] =	ssyncadd.s32 $0xFFFFFF80;
	(pc) =	sbr.rel .LBB2_2-.Ltmp2, $4  }
0x39: {  	_ =	swait.ge [sflag:s29], $0x80  }
0x3a: {  	s31 =	simm.s32 $0x3000;
	s24 =	simm.s32 $0x400;
	[sflag:s29] =	ssyncset.done $0x0  }
0x3b: {  	s25 =	simm.s32 $0x0;
	s26 =	simm.s32 $0x0;
	[sflag:s29] =	ssyncadd.s32 $0xFFFFFF80  }
0x3c: {  	[tilespmem:s31], [sflag:$0x2] =	stream.indirect.gather [hbm4b:s5+s30], $0x80, s23, s30, $0xb8;
	[tilespmem:$0x1E800] =	vst v63  }
.LBB2_4:
0x3d: {  	s26 =	sadd.s32 $0x1, s26  }
0x3e: {  	p0 =	sne.s32 s26, $0x7F  }
.Ltmp3:
0x3f: {  	_ = 	snop;
	(pc) =	sbr.rel @!p0 .LBB2_5-.Ltmp3, $2  }
0x40: {  	_ =	sdelay $0x2  }
0x41: {  	s24 =	sadd.s32 $0x100, s24;
	s22 =	sadd.s32 $0x80, s22;
	s25 =	sadd.s32 $0x400, s25  }
.LBB2_2:
0x42: {  	p0 =	sgt.u32 s26, $0x7C  }
0x43: {  	s28 =	sand.u32 @!p0 $0x3, s26  }
0x44: {  	s31 =	simm.s32 @!p0 $0x2;
	s1 =	sand.u32 @!p0 $0x1C00, s25;
	s28 =	smul.u32 @!p0 $0xA000, s28  }
0x45: {  	p1 =	slt.u32 @!p0 s26, $0x2;
	_ =	swait.ge @!p0 [sflag:s31], $0x2800;
	s1 =	sshrl.u32 @!p0 s1, $0x2  }
0x46: {  	[sflag:s31] =	ssyncset.done @!p0 $0x0;
	s1 =	sor.u32 @!p0 $0x80, s1;
	s28 =	sshrl.u32 @!p0 s28, $0x2  }
0x47: {  	[sflag:s31] =	ssyncadd.s32 @!p0 $0xFFFFD800;
	s31 =	simm.s32 @!p0 $0x50;
	s28 =	sadd.s32 @!p0 $0x800, s28  }
0x48: {  	[spmem:s3] =	stream.indirect.scatter.add.f32 @!p0 [tilespmem:s28], [sflag:$0x3], $0x80, s1, s31, $0xb8;
	[tilespmem:$0x1E800] =	vst v63  }
0x49: {  	p0 =	por p0, !p1  }
0x4a: {  	p1 =	sgt.u32 @p0 s26, $0x7A  }
0x4b: {  	p1 =	por !p0, !p1  }
.Ltmp4:
0x4c: {  	_ = 	snop;
	(pc) =	sbr.rel @!p1 .LBB2_4-.Ltmp4, $4  }
0x4d: {  	s1 =	simm.s32 @p0 $0x3  }
0x4e: {  	_ =	swait.ge @p0 [sflag:s1], $0x2800  }
0x4f: {  	[sflag:s1] =	ssyncset.done @p0 $0x0  }
0x50: {  	[sflag:s1] =	ssyncadd.s32 @p0 $0xFFFFD800  }
0x51: {  	s1 =	sadd.s32 $0x2, s26;
	_ =	swait.ge [sflag:s29], $0x80  }
0x52: {  	[sflag:s29] =	ssyncset.done $0x0;
	s1 =	sand.u32 $0x3, s1  }
0x53: {  	[sflag:s29] =	ssyncadd.s32 $0xFFFFFF80;
	s1 =	smul.u32 $0xA000, s1  }
0x54: {  	s28 =	sadd.s32 $0x800, s25;
	p0 =	sgt.u32 s26, $0x78;
	_ =	swait.ge [sflag:s29], $0x80  }
0x55: {  	s28 =	sand.u32 $0x1C00, s28;
	[sflag:s29] =	ssyncset.done $0x0;
	s1 =	sshrl.u32 s1, $0x2  }
0x56: {  	s28 =	sshrl.u32 s28, $0x2;
	[sflag:s29] =	ssyncadd.s32 $0xFFFFFF80;
	s1 =	sadd.s32 $0x800, s1  }
0x57: {  	[tilespmem:s1], [sflag:$0x2] =	stream.indirect.gather [hbm4b:s5+s30], $0x80, s28, s30, $0xb8;
	[tilespmem:$0x1E800] =	vst v63  }
0x58: {  	s1 =	sand.u32 @!p0 $0x7C00, s22  }
0x59: {  	s31 =	sand.u32 @!p0 $0x380, s22;
	s28 =	sadd.s32 @!p0 s6, s1  }
0x5a: {  	s7 =	sand.u32 @!p0 $0x700, s24;
	s1 =	sadd.s32 @!p0 s8, s1;
	s28 =	sor.u32 @!p0 s31, s28  }
.Ltmp5:
0x5b: {  	s1 =	sor.u32 @!p0 s31, s1;
	s28 =	sshrl.u32 @!p0 s28, $0x3;
	(pc) =	sbr.rel .LBB2_4-.Ltmp5, $4  }
0x5c: {  	s11 =	simm.s32 @!p0 $0x0;
	s1 =	sshrl.u32 @!p0 s1, $0x3;
	s28 =	sadd.s32 @!p0 s2, s28  }
0x5d: {  	[tilespmem:s7], [sflag:$0x1] =	stream.linear.gather @!p0 [hbm4b:s28+s11], $0x80, $0x38;
	[tilespmem:$0x1E800] =	vst v63  }
0x5e: {  	s1 =	sadd.s32 @!p0 s2, s1;
	s7 =	sor.u32 @!p0 $0x80, s7  }
0x5f: {  	[tilespmem:s7], [sflag:$0x1] =	stream.linear.gather @!p0 [hbm4b:s1+s11], $0x80, $0x38;
	[tilespmem:$0x1E800] =	vst v63  }
.LBB2_6:
0x60: {  	_ =	sfence.sel $0x180000  }
0x61: {  	[bflag:$0x0] =	sbarrier.arrive $0xFFFF  }
0x62: {  	_ =	strace $0x9000004D  }
0x63: {  	s0 =	stileid.u32;
	[bflag:$0x2] =	sbarrier.arrive $0xFFFF  }
0x64: {  	p0 =	sne.s32 s0, $0x0;
	s0 =	rddreg [dreg:$0x3]  }
0x65: {  	s0 =	sadd.s32 @!p0 $0x100000, s0  }
0x66: {  	[sflag:s0] =	ssyncadd.tile.s32 @!p0 $0x1;
	_ =	shalt  }
.Lfunc_end2:
_tile_overlayer_lowered:
.L_overlay_start_2:
0x67: {  	(tag) =	ssettag $0x2  }
0x68: {  	s0 =	rddreg [dreg:$0x0];
	s2 =	stileid.u32  }
0x69: {  	s1 =	rddreg [dreg:$0x1];
	p0 =	sne.s32 s2, $0x0  }
0x6a: {  	s3 =	rddreg [dreg:$0x2];
	[bflag:$0x3] =	sbarrier.arrive $0xFFFF;
	s2 =	simm.s32 @!p0 $0x1C04  }
0x6b: {  	[timem:s3], [sflag:s2] =	dma.local @!p0 [hbm:s0], s1  }
0x6c: {  	s0 =	simm.s32 @!p0 $0x4  }
0x6d: {  	_ =	swait.ge @!p0 [sflag:s0], s1  }
0x6e: {  	s1 =	ssub.s32 @!p0 $0x0, s1;
	[sflag:s0] =	ssyncset.done @!p0 $0x0  }
0x6f: {  	[sflag:s0] =	ssyncadd.s32 @!p0 s1  }
0x70: {  	[bflag:$0x3] =	sbarrier.arrive $0xFFFF  }
0x71: {  	_ =	shalt  }

// kernel: kernel.8.cloned.1.call-start
scs
__scs_entry_jumppad:
0x0: {  	(pc) =	sbr.rel $0x88, $3  }
0x1: {  	(tag) =	ssettag $0x0;
	lr =	simm.s32 $0x1  }
0x2: {  	[smem:$0x3F9B] =	sst lr;
	_ =	strace $0xD0000000  }
0x3: {  	_ = 	snop  }
0x4: {  	_ = 	snop  }
0x5: {  	_ = 	snop  }
0x6: {  	_ = 	snop  }
0x7: {  	_ = 	snop  }
__scs_overlays_trampoline_lowered:
0x8: {  	[smem:$0x3FAA] =	sst s0  }
0x9: {  	[smem:$0x3FAB] =	sst s1  }
0xa: {  	[smem:$0x3FAC] =	sst s2  }
0xb: {  	[smem:$0x3FAD] =	sst s3  }
0xc: {  	[smem:$0x3FAE] =	sst s4  }
0xd: {  	[smem:$0x3FAF] =	sst s5  }
0xe: {  	[smem:$0x3FB0] =	sst s6  }
0xf: {  	[smem:$0x3FB1] =	sst s7  }
0x10: {  	[smem:$0x3FB2] =	sst s8  }
0x11: {  	[smem:$0x3FB3] =	sst s9;
	s0 =	simm.s32 @!p0 $0x0  }
0x12: {  	s1 =	sld [smem:$0x3F99];
	s0 =	simm.s32 @p0 $0x1  }
0x13: {  	[smem:$0x3FB4] =	sst s0;
	s0 =	simm.s32 @!p1 $0x0  }
0x14: {  	s2 =	sld [smem:$0x3F98];
	s0 =	simm.s32 @p1 $0x1  }
0x15: {  	[smem:$0x3FB5] =	sst s0;
	s0 =	simm.s32 @!p2 $0x0  }
0x16: {  	s3 =	sld [smem:$0x3FDB];
	s0 =	simm.s32 @p2 $0x1  }
0x17: {  	s4 =	simm.s32 $0x1BF5;
	[smem:$0x3FB7] =	sst s0  }
0x18: {  	s0 =	sld [smem:$0x3F9A];
	_ =	swait.ge [sflag:s4], $0x0  }
0x19: {  	s7 =	sld [smem:$0x3F9B]  }
0x1a: {  	s8 =	sadd.s32 $0xFFFFE003, lr  }
0x1b: {  	s9 =	sadd.s32 $0xFFFFFEF7, lr;
	s5 =	simm.s32 $0xFFFFFFFF;
	p2 =	slt.u32 s8, $0xFFFFF086  }
0x1c: {  	p1 =	slt.u32 s9, $0xF7A;
	s5 =	simm.s32 @!p2 $0x0  }
0x1d: {  	s5 =	simm.s32 @p1 $0x1;
	p0 =	seq.s32 s7, s2  }
0x1e: {  	s7 =	smul.u32 @!p0 $0xF7A, s2;
	p2 =	seq.s32 @!p0 s5, $0x0  }
0x1f: {  	s9 =	smul.u32 $0xF7A, s1;
	s8 =	simm.s32 @!p0 $0x1BF5;
	p2 =	por !p2, p0  }
0x20: {  	[sflag:s8] =	ssyncset.s32 @!p0 $0xFFFFF086;
	s6 =	sadd.s32 @!p0 s3, s7;
	s7 =	simm.s32 @!p0 $0x108  }
0x21: {  	s3 =	sadd.s32 s3, s9;
	s6 =	sadd.s32 @!p0 $0x88, s6;
	s7 =	simm.s32 @p2 $0x1082  }
0x22: {  	[simem:s7], [sflag:s8] =	dma.local @!p0 [hbm:s6], $0xF7A  }
0x23: {  	s9 =	sor.u32 $0xD0000000, s2;
	s6 =	simm.s32 $0x108;
	_ =	swait.ge @!p0 [sflag:s8], $0x0  }
0x24: {  	s3 =	sadd.s32 $0x88, s3;
	s6 =	simm.s32 @!p1 $0x1082;
	[sflag:s4] =	ssyncset.s32 $0xFFFFF086  }
0x25: {  	[simem:s6], [sflag:s4] =	dma.local [hbm:s3], $0xF7A  }
0x26: {  	[smem:$0x3F9B] =	sst s1;
	(tag) =	ssettag s2;
	_ =	strace s9  }
0x27: {  	s1 =	sld [smem:$0x3FAB]  }
0x28: {  	s2 =	sld [smem:$0x3FAC]  }
0x29: {  	s4 =	sld [smem:$0x3FAE]  }
0x2a: {  	p0 =	seq.s32 s5, $0x0;
	s5 =	sld [smem:$0x3FAF]  }
0x2b: {  	s6 =	sld [smem:$0x3FB0]  }
0x2c: {  	s7 =	sld [smem:$0x3FB1]  }
0x2d: {  	s3 =	simm.s32 $0x108;
	s8 =	sld [smem:$0x3FB2]  }
0x2e: {  	s3 =	simm.s32 @!p0 $0x1082;
	s9 =	sld [smem:$0x3FB3]  }
0x2f: {  	lr =	sadd.s32 s0, s3;
	s0 =	sld [smem:$0x3FAA]  }
0x30: {  	s3 =	sld [smem:$0x3FAD]  }
0x31: {  	[smem:$0x3FB6] =	sst s10  }
0x32: {  	s10 =	sld [smem:$0x3FB4];
	_ =	sdelay $0x3  }
0x33: {  	p0 =	seq.s32 s10, $0x1;
	s10 =	sld [smem:$0x3FB6];
	_ =	sdelay $0x3  }
0x34: {  	[smem:$0x3FB6] =	sst s10  }
0x35: {  	s10 =	sld [smem:$0x3FB5];
	_ =	sdelay $0x3  }
0x36: {  	p1 =	seq.s32 s10, $0x1;
	s10 =	sld [smem:$0x3FB6];
	_ =	sdelay $0x3  }
0x37: {  	[smem:$0x3FB6] =	sst s10  }
0x38: {  	s10 =	sld [smem:$0x3FB7]  }
0x39: {  	_ = 	snop;
	(pc) =	sbr.ind lr, $3  }
0x3a: {  	_ = 	snop  }
0x3b: {  	_ = 	snop  }
0x3c: {  	p2 =	seq.s32 s10, $0x1;
	s10 =	sld [smem:$0x3FB6]  }
0x3d: {  	_ =	shalt  }
0x3e: {  	_ =	shalt  }
0x3f: {  	_ =	shalt  }
0x40: {  	_ =	shalt  }
0x41: {  	_ =	shalt  }
0x42: {  	_ =	shalt  }
0x43: {  	_ =	shalt  }
0x44: {  	_ =	shalt  }
0x45: {  	_ =	shalt  }
0x46: {  	_ =	shalt  }
0x47: {  	_ =	shalt  }
0x48: {  	_ =	shalt  }
0x49: {  	_ =	shalt  }
0x4a: {  	_ =	shalt  }
0x4b: {  	_ =	shalt  }
0x4c: {  	_ =	shalt  }
0x4d: {  	_ =	shalt  }
0x4e: {  	_ =	shalt  }
0x4f: {  	_ =	shalt  }
0x50: {  	_ =	shalt  }
0x51: {  	_ =	shalt  }
0x52: {  	_ =	shalt  }
0x53: {  	_ =	shalt  }
0x54: {  	_ =	shalt  }
0x55: {  	_ =	shalt  }
0x56: {  	_ =	shalt  }
0x57: {  	_ =	shalt  }
0x58: {  	_ =	shalt  }
0x59: {  	_ =	shalt  }
0x5a: {  	_ =	shalt  }
0x5b: {  	_ =	shalt  }
0x5c: {  	_ =	shalt  }
0x5d: {  	_ =	shalt  }
0x5e: {  	_ =	shalt  }
0x5f: {  	_ =	shalt  }
0x60: {  	_ =	shalt  }
0x61: {  	_ =	shalt  }
0x62: {  	_ =	shalt  }
0x63: {  	_ =	shalt  }
0x64: {  	_ =	shalt  }
0x65: {  	_ =	shalt  }
0x66: {  	_ =	shalt  }
0x67: {  	_ =	shalt  }
0x68: {  	_ =	shalt  }
0x69: {  	_ =	shalt  }
0x6a: {  	_ =	shalt  }
0x6b: {  	_ =	shalt  }
0x6c: {  	_ =	shalt  }
0x6d: {  	_ =	shalt  }
0x6e: {  	_ =	shalt  }
0x6f: {  	_ =	shalt  }
0x70: {  	_ =	shalt  }
0x71: {  	_ =	shalt  }
0x72: {  	_ =	shalt  }
0x73: {  	_ =	shalt  }
0x74: {  	_ =	shalt  }
0x75: {  	_ =	shalt  }
0x76: {  	_ =	shalt  }
0x77: {  	_ =	shalt  }
0x78: {  	_ =	shalt  }
0x79: {  	_ =	shalt  }
0x7a: {  	_ =	shalt  }
0x7b: {  	_ =	shalt  }
0x7c: {  	_ =	shalt  }
0x7d: {  	_ =	shalt  }
0x7e: {  	_ =	shalt  }
0x7f: {  	_ =	shalt  }
0x80: {  	_ =	shalt  }
0x81: {  	_ =	shalt  }
0x82: {  	_ =	shalt  }
0x83: {  	_ =	shalt  }
0x84: {  	_ =	shalt  }
0x85: {  	_ =	shalt  }
0x86: {  	_ =	shalt  }
0x87: {  	_ =	shalt  }
.Lfunc_end0:
.L_simem_size_0:
called_computation_lowered:
.L_overlay_start_0:
0x88: {  	s2 =	sld [smem:$0x3FD9]  }
0x89: {  	s3 =	sld [smem:$0x3FFE];
	_ =	sdelay $0x1  }
0x8a: {  	s1 =	srdreg.scid  }
0x8b: {  	s0 =	sand.u32 $0x1, s1  }
0x8c: {  	s16 =	sshll.u32 s0, $0xA;
	s2 =	sadd.s32 s3, s2  }
0x8d: {  	s2 =	sadd.s32 s2, s16  }
0x8e: {  	[smem:$0x3FC2] =	sst s2  }
0x8f: {  	_ = 	snop  }
0x90: {  	(tm) =	ssettm $0x1  }
0x91: {  	s17 =	sld [smem:$0x3FFB];
	_ =	sdelay $0x3  }
0x92: {  	_ =	strace s17  }
0x93: {  	s2 =	sld [smem:$0x3FFC];
	_ =	sdelay $0x3  }
0x94: {  	_ =	strace s2  }
0x95: {  	s2 =	sld [smem:$0x3FFD];
	_ =	sdelay $0x3  }
0x96: {  	_ =	strace s2  }
0x97: {  	_ =	strace $0x8FFFFFFF  }
0x98: {  	s18 =	sld [smem:$0x3FDB];
	_ =	sdelay $0x1  }
0x99: {  	s19 =	simm.s32 $_scs_section_size  }
0x9a: {  	s4 =	simm.s32 $_size__tile_overlayer_lowered;
	s5 =	simm.s32 $_tile_overlayer_lowered  }
0x9b: {  	s22 =	simm.s32 $0x1BFF;
	s21 =	sshll.u32 s5, $0x1;
	s2 =	sadd.s32 s19, s18  }
0x9c: {  	s6 =	simm.s32 $0x0;
	s20 =	sshll.u32 s4, $0x1;
	s4 =	sadd.s32 s21, s2  }
0x9d: {  	[timem:s6], [sflag:s22] =	dma.local [hbm:s4], s20  }
0x9e: {  	_ =	swait.ge [sflag:s22], s20  }
0x9f: {  	s3 =	ssub.s32 $0x0, s20;
	[sflag:s22] =	ssyncset.done $0x0  }
0xa0: {  	[sflag:s22] =	ssyncadd.s32 s3;
	_ =	sdelay $0x1  }
0xa1: {  	s23 =	simm.s32 $0x1B8B  }
0xa2: {  	_ =	swait.ge [sflag:s23], $0x1  }
0xa3: {  	[sflag:s23] =	ssyncset.done $0x0  }
0xa4: {  	s25 =	simm.s32 $0x1B8E;
	s24 =	sld [smem:$0x3FFE];
	[sflag:s23] =	ssyncadd.s32 $0xFFFFFFFF  }
0xa5: {  	s26 =	simm.s32 $execute0_lowered;
	[smem:$0x3FD2] =	sst s25  }
0xa6: {  	s4 =	sshll.u32 s26, $0x1;
	_ =	strace $0x80000046;
	[dreg:$0x1] =	wrdreg $0xFFFFFFFF  }
0xa7: {  	s28 =	simm.s32 $_size_execute0_lowered;
	s2 =	sadd.s32 s2, s4;
	[dreg:$0x0] =	wrdreg $0x0  }
0xa8: {  	s4 =	sshll.u32 s28, $0x1;
	[dreg:$0x2] =	wrdreg s2  }
0xa9: {  	[dreg:$0x3] =	wrdreg s4  }
0xaa: {  	[dreg:$0x4] =	wrdreg $0xC0  }
0xab: {  	_ =	task [dreg:s6], $0x5FFFF  }
0xac: {  	[dreg:$0x1] =	wrdreg $0xFFFFFFFF  }
0xad: {  	[dreg:$0x0] =	wrdreg $0x60  }
0xae: {  	[dreg:$0x2] =	wrdreg s24  }
0xaf: {  	[dreg:$0x3] =	wrdreg $0x40800  }
0xb0: {  	[dreg:$0x4] =	wrdreg $0x9  }
0xb1: {  	_ =	task.clear_ibuf [dreg:s6], $0x5FFFF;
	_ =	strace $0x90000046  }
0xb2: {  	s29 =	simm.s32 $0x9;
	_ =	strace $0x80000048  }
0xb3: {  	_ =	swait.ge [sflag:s29], $0x1  }
0xb4: {  	[sflag:s29] =	ssyncadd.s32 $0xFFFFFFFF  }
0xb5: {  	_ =	strace $0x90000048  }
0xb6: {  	_ =	sfence  }
0xb7: {  	s30 =	sld [smem:$0x0];
	_ =	sdelay $0x2  }
0xb8: {  	s31 =	sshll.u32 s1, $0xD;
	s1 =	sshrl.u32 s1, $0x2  }
0xb9: {  	s3 =	sand.u32 $0x4000, s31;
	s1 =	sadd.s32 s1, s30  }
0xba: {  	s0 =	sor.u32 s3, s0;
	s1 =	sshll.u32 s1, $0x11  }
0xbb: {  	s0 =	sor.u32 s1, s0  }
0xbc: {  	s0 =	sadd.s32 $0x8F2B, s0  }
0xbd: {  	[sflag:s0] =	ssyncadd.remote.s32 $0x1  }
0xbe: {  	_ =	sfence.sel $0xFFFF  }
0xbf: {  	[dreg:$0x0] =	wrdreg $0xFFFFFFFF;
	(pc) =	sbr.abs _section_cstart, $3  }
0xc0: {  	[dreg:$0x1] =	wrdreg $0xFFFFFFFF  }
0xc1: {  	_ =	task.clear_ibuf [dreg:s6], $0x2FFFF;
	_ =	strace $0x9FFFFFFF  }
0xc2: {  	(tm) =	ssettm $0x7FFFFFFF  }
0xc3: {  	_ =	shalt  }
tec
execute0_lowered:
.L_overlay_start_1:
0x0: {  	(tag) =	ssettag $0x1  }
0x1: {  	s4 =	rddreg [dreg:$0x0]  }
0x2: {  	s2 =	rddreg [dreg:$0x1]  }
0x3: {  	s0 =	rddreg [dreg:$0x2]  }
0x4: {  	s3 =	simm.s32 $0x0;
	s5 =	srdreg.scid;
	s1 =	stileid.u32  }
0x5: {  	s12 =	simm.s32 $0x4000;
	s13 =	simm.s32 $0x80;
	s14 =	simm.s32 $0x100  }
0x6: {  	s15 =	simm.s32 $0x180;
	s16 =	simm.s32 $0x1;
	s17 =	simm.s32 $0x20  }
0x7: {  	s18 =	simm.s32 $0x10;
	s19 =	simm.s32 $0x0;
	s6 =	smul.u32 $0x280, s1  }
0x8: {  	[smem:$0x7FF] =	sst s3;
	s5 =	sand.u32 $0x1, s5;
	s8 =	smul.u32 $0x500, s1  }
0x9: {  	s11 =	sshll.u32 s1, $0xC;
	s31 =	sshll.u32 s1, $0x6;
	_ =	strace $0x80000047  }
0xa: {  	s7 =	sshll.u32 s5, $0xB;
	s10 =	sshll.u32 s5, $0x7;
	s5 =	ssub.s32 $0x2, s5  }
0xb: {  	s7 =	sadd.s32 s7, s4;
	s9 =	sshrl.u32 s6, $0x3;
	s8 =	sor.u32 s10, s8  }
0xc: {  	s28 =	sshrl.u32 s5, $0x1;
	s30 =	sadd.s32 s6, s2;
	s9 =	sadd.s32 s9, s4  }
0xd: {  	s8 =	sshrl.u32 s8, $0x3;
	s10 =	ssub.s32 s5, s28;
	s29 =	sadd.s32 s11, s7  }
0xe: {  	s11 =	simm.s32 $0x50;
	s8 =	sadd.s32 s8, s4;
	s4 =	sadd.s32 $0x2C00, s29  }
0xf: {  	s5 =	sadd.s32 $0x12C00, s9;
	s7 =	smax.u32 s10, $0x1;
	s9 =	sor.u32 $0x1C02, s31  }
0x10: {  	v0 =	vimm.f32 $1.000000000e+00;
	s10 =	sshrl.u32 s30, $0x3;
	s6 =	sadd.s32 $0x13200, s8;
	s8 =	simm.s32 $0x2  }
.LBB2_1:
0x11: {  	[tilespmem:s3], [sflag:$0x2] =	stream.linear.gather [hbm4b:s4+s3], $0x3E80, $0x38;
	[tilespmem:$0x4300] =	vst v63  }
0x12: {  	_ =	swait.ge [sflag:s8], $0x3E80  }
0x13: {  	[sflag:s8] =	ssyncset.done $0x0  }
0x14: {  	[sflag:s8] =	ssyncadd.s32 $0xFFFFC180  }
0x15: {  	[tilespmem:$0x4000] =	vst v0  }
0x16: {  	[tilespmem:$0x4010] =	vst v0  }
0x17: {  	[tilespmem:$0x4020] =	vst v0  }
0x18: {  	[tilespmem:$0x4030] =	vst v0  }
0x19: {  	[tilespmem:$0x4040] =	vst v0  }
0x1a: {  	[spmem:s10], [sflag:s9] =	dma.local [hbm:s5], $0x50  }
0x1b: {  	_ =	swait.ge [sflag:s8], $0x50  }
0x1c: {  	[sflag:s8] =	ssyncset.done $0x0  }
0x1d: {  	[sflag:s8] =	ssyncadd.s32 $0xFFFFFFB0  }
0x1e: {  	[bflag:$0x0] =	sbarrier.arrive $0xFFFF  }
0x1f: {  	[spmem:s2] =	stream.indirect.scatter.add.f32 [tilespmem:s12], [sflag:$0x1], $0x1, s3, s11, $0xb8;
	[tilespmem:$0x4300] =	vst v63  }
0x20: {  	_ = 	snop  }
0x21: {  	[spmem:s2] =	stream.indirect.scatter.add.f32 [tilespmem:s12], [sflag:$0x1], $0x1, s13, s11, $0xb8;
	[tilespmem:$0x4300] =	vst v63  }
0x22: {  	_ = 	snop  }
0x23: {  	[spmem:s2] =	stream.indirect.scatter.add.f32 [tilespmem:s12], [sflag:$0x1], $0x1, s14, s11, $0xb8;
	[tilespmem:$0x4300] =	vst v63  }
0x24: {  	p0 =	por $0x0, $0x0  }
0x25: {  	[spmem:s2] =	stream.indirect.scatter.add.f32 [tilespmem:s12], [sflag:$0x1], $0x1, s15, s11, $0xb8;
	[tilespmem:$0x4300] =	vst v63  }
0x26: {  	s20 =	simm.s32 $0x200;
	s21 =	simm.s32 @!p0 $0x50;
	s22 =	simm.s32 @!p0 $0x4000  }
0x27: {  	[spmem:s2] =	stream.indirect.scatter.add.f32 @!p0 [tilespmem:s22], [sflag:$0x1], $0x1, s20, s21, $0xb8;
	[tilespmem:$0x4300] =	vst v63  }
0x28: {  	_ =	swait.ge [sflag:s16], $0x50  }
0x29: {  	s21 =	simm.s32 $0x5;
	[sflag:s16] =	ssyncset.done $0x0  }
.LBB2_2:
0x2a: {  	s22 =	smov.u32 s21;
	s21 =	sadd.s32 $0x1, s21  }
0x2b: {  	[sflag:s16] =	ssyncadd.s32 $0xFFFFFFB0;
	s20 =	sadd.s32 $0x80, s20;
	p1 =	sne.s32 s21, $0x81  }
.Ltmp0:
0x2c: {  	p0 =	sgt.u32 s22, $0x7C;
	(pc) =	sbr.rel @p1 .LBB2_2-.Ltmp0, $4  }
0x2d: {  	s22 =	simm.s32 @!p0 $0x50;
	s23 =	simm.s32 @!p0 $0x4000  }
0x2e: {  	[spmem:s2] =	stream.indirect.scatter.add.f32 @!p0 [tilespmem:s23], [sflag:$0x1], $0x1, s20, s22, $0xb8;
	[tilespmem:$0x4300] =	vst v63  }
0x2f: {  	_ =	swait.ge [sflag:s16], $0x50  }
0x30: {  	[sflag:s16] =	ssyncset.done $0x0  }
0x31: {  	s19 =	sadd.s32 $0x1, s19  }
0x32: {  	[sflag:s16] =	ssyncadd.s32 $0xFFFFFFB0;
	p0 =	sne.s32 s19, s7  }
.Ltmp1:
0x33: {  	[bflag:$0x0] =	sbarrier.arrive $0xFFFF;
	(pc) =	sbr.rel @p0 .LBB2_1-.Ltmp1, $4  }
0x34: {  	[hbm:s6@s17], [sflag:s9] =	dma.strided [spmem:s10@s18], $0x50, s16, $0x10   }
0x35: {  	_ =	swait.ge [sflag:s8], $0x50  }
0x36: {  	[sflag:s8] =	ssyncset.done $0x0  }
0x37: {  	[sflag:s8] =	ssyncadd.s32 $0xFFFFFFB0  }
0x38: {  	_ =	sfence.sel $0x180000  }
0x39: {  	[bflag:$0x0] =	sbarrier.arrive $0xFFFF  }
0x3a: {  	p0 =	sne.s32 s1, $0x0;
	_ =	strace $0x90000047  }
0x3b: {  	s0 =	sadd.s32 @!p0 $0x100000, s0;
	[bflag:$0x2] =	sbarrier.arrive $0xFFFF  }
0x3c: {  	[sflag:s0] =	ssyncadd.tile.s32 @!p0 $0x1;
	_ =	shalt  }
.Lfunc_end2:
_tile_overlayer_lowered:
.L_overlay_start_2:
0x3d: {  	(tag) =	ssettag $0x2  }
0x3e: {  	s0 =	rddreg [dreg:$0x0];
	s2 =	stileid.u32  }
0x3f: {  	s1 =	rddreg [dreg:$0x1];
	p0 =	sne.s32 s2, $0x0  }
0x40: {  	s3 =	rddreg [dreg:$0x2];
	[bflag:$0x3] =	sbarrier.arrive $0xFFFF;
	s2 =	simm.s32 @!p0 $0x1C02  }
0x41: {  	[timem:s3], [sflag:s2] =	dma.local @!p0 [hbm:s0], s1  }
0x42: {  	s0 =	simm.s32 @!p0 $0x2  }
0x43: {  	_ =	swait.ge @!p0 [sflag:s0], s1  }
0x44: {  	s1 =	ssub.s32 @!p0 $0x0, s1;
	[sflag:s0] =	ssyncset.done @!p0 $0x0  }
0x45: {  	[sflag:s0] =	ssyncadd.s32 @!p0 s1  }
0x46: {  	[bflag:$0x3] =	sbarrier.arrive $0xFFFF  }
0x47: {  	_ =	shalt  }

</sc_bundles>
